<compile_context>
chip_gen: v7x
topology: tpu7x:2x2x1
jax: 0.10.2.dev20260603
libtpu: 0.0.44.dev20260713+nightly
codegen_flags: <defaults>
</compile_context>

<pallas_src>
import functools

import jax
import jax.numpy as jnp
from jax import lax
from jax.experimental import pallas as pl
from jax.experimental.pallas import tpu as pltpu
from jax.experimental.pallas import tpu_sc as plsc

_D = 64
_CH = 128
_BS = 4
_NB = 2
_NW = 32


@functools.lru_cache(maxsize=None)
def _build(n_b, n_t):
    b_per_w = n_b // _NW
    n_super = b_per_w // _BS
    assert n_super % _NB == 0 and n_super >= 2 * _NB
    chunks = []
    for b in range(_BS):
        o = 0
        while o < n_t:
            l = min(_CH, n_t - o)
            chunks.append((b, o, l))
            o += l
    mesh = plsc.VectorSubcoreMesh(core_axis_name="c", subcore_axis_name="s")

    @functools.partial(
        pl.kernel,
        out_type=jax.ShapeDtypeStruct((n_b, n_t, 128), jnp.float32),
        mesh=mesh,
        scratch_types=[
            pltpu.VMEM((b_per_w, n_t), jnp.int32),
            [pltpu.VMEM((_BS, n_t, _D), jnp.float32) for _ in range(_NB)],
            [pltpu.SemaphoreType.DMA for _ in range(_NB)],
            [pltpu.SemaphoreType.DMA for _ in range(_NB)],
        ],
        compiler_params=pltpu.CompilerParams(use_tc_tiling_on_sc=False),
    )
    def gather_kernel(idx_hbm, table_hbm, out_hbm, idx_v, bufs, gsems, ssems):
        wid = lax.axis_index("s") * 2 + lax.axis_index("c")
        b_base = wid * b_per_w
        pltpu.sync_copy(idx_hbm.at[pl.ds(b_base, b_per_w)], idx_v)

        def out_slice(s):
            return out_hbm.at[pl.ds(b_base + s * _BS, _BS), :, pl.ds(0, _D)]

        def issue(s, k):
            for (b, o, l) in chunks:
                pltpu.async_copy(
                    table_hbm.at[idx_v.at[s * _BS + b, pl.ds(o, l)]],
                    bufs[k].at[b, pl.ds(o, l)], gsems[k])

        def wait_gathers(s, k):
            for (b, o, l) in chunks:
                pltpu.make_async_copy(
                    table_hbm.at[idx_v.at[s * _BS + b, pl.ds(o, l)]],
                    bufs[k].at[b, pl.ds(o, l)], gsems[k]).wait()

        def start_store(s, k):
            pltpu.async_copy(bufs[k], out_slice(s), ssems[k])

        def wait_store(s, k):
            pltpu.make_async_copy(bufs[k], out_slice(s), ssems[k]).wait()

        def drain(s, k):
            wait_gathers(s, k)
            start_store(s, k)
            wait_store(s, k)

        for j in range(_NB - 1):
            issue(j, j)

        @pl.loop(0, n_super - _NB, step=_NB)
        def _(s):
            for j in range(_NB):
                issue(s + j + _NB - 1, (j + _NB - 1) % _NB)
                drain(s + j, j)

        issue(n_super - 1, (_NB - 1) % _NB)
        for j in range(_NB):
            drain(n_super - _NB + j, j)

    return gather_kernel


def kernel(positions, encoding_matrix):
    n_b, n_t = positions.shape
    out128 = _build(n_b, n_t)(positions, encoding_matrix)
    return out128[:, :, :_D]

# --- scband reference (transcript-rebuilt; emitter-appended) ---
"""Pipeline reference for scband-positional-encoder-layer-6133213298797 (READ-ONLY COPY).

The authoritative reference and input builder live on the scoring server;
editing this copy changes nothing except your own understanding.
"""

import jax, jax.numpy as jnp
import numpy as np

MAX_LENGTH = 100000
OUTPUT_DIM = 64


def _make_encoding(max_length, output_dim):
    position = jnp.arange(max_length, dtype=jnp.float32)[:, None]
    frequencies = 10000.0 ** (jnp.arange(0, output_dim, 2, dtype=jnp.float32) / output_dim)
    enc = jnp.zeros((max_length, output_dim), dtype=jnp.float32)
    enc = enc.at[:, 0::2].set(jnp.sin(frequencies * position))
    enc = enc.at[:, 1::2].set(jnp.cos(frequencies * position))
    return enc


def setup_inputs(seed: int = 0) -> dict:
    key = jax.random.key(seed)
    positions = jax.random.randint(key, (4096, 200), 0, MAX_LENGTH, dtype=jnp.int32)
    encoding_matrix = _make_encoding(MAX_LENGTH, OUTPUT_DIM)
    return {"positions": positions, "encoding_matrix": encoding_matrix}


def reference(positions, encoding_matrix):
    # positional_encoding_matrix[positions] -> row gather
    return jnp.take(encoding_matrix, positions, axis=0)

if __name__ == "__main__":
    import jax
    _d = setup_inputs()
    print(jax.jit(kernel)(*tuple(_d.values())))

</pallas_src>

<mosaic_0001>
#map = affine_map<(d0, d1) -> (0, 0)>
#map1 = affine_map<(d0, d1) -> (0, 0, 0)>
module attributes {stable_mosaic.version = 14 : i64} {
  func.func @gather_kernel(%arg0: i32, %arg1: i32, %arg2: memref<4096x200xi32, #tpu.memory_space<hbm>>, %arg3: memref<100000x64xf32, #tpu.memory_space<hbm>>, %arg4: memref<4096x200x128xf32, #tpu.memory_space<hbm>>, %arg5: memref<128x200xi32, #tpu.memory_space<vmem>>, %arg6: memref<4x200x64xf32, #tpu.memory_space<vmem>>, %arg7: memref<4x200x64xf32, #tpu.memory_space<vmem>>, %arg8: memref<!tpu.dma_semaphore, #tpu.memory_space<semaphore_mem>>, %arg9: memref<!tpu.dma_semaphore, #tpu.memory_space<semaphore_mem>>, %arg10: memref<!tpu.dma_semaphore, #tpu.memory_space<semaphore_mem>>, %arg11: memref<!tpu.dma_semaphore, #tpu.memory_space<semaphore_mem>>) attributes {dimension_semantics = [#tpu.dimension_semantics<core_parallel>, #tpu.dimension_semantics<subcore_parallel>], iteration_bounds = array<i64: 2, 16>, scalar_prefetch = 0 : i64, scratch_operands = 7 : i64, tpu.core_type = #tpu.core_type<sc_vector_subcore>, window_params = [{transform_indices = #map}, {transform_indices = #map}, {transform_indices = #map1}]} {
    %mul3A = arith.constant 2 : i32
    %mul3A_0 = arith.muli %arg1, %mul3A : i32
    %add3A = arith.addi %mul3A_0, %arg0 : i32
    %mul3A_1 = arith.constant 128 : i32
    %mul3A_2 = arith.muli %add3A, %mul3A_1 : i32
    "tpu.region"() ({
      %run_scoped3A = tpu.sem_alloc : memref<!tpu.dma_semaphore, #tpu.memory_space<semaphore_mem>>
      %dma_start3A_421 = arith.constant 0 : i32
      %dma_start3A_422 = tpu.memref_slice %arg2[%mul3A_2, %dma_start3A_421] : memref<4096x200xi32, #tpu.memory_space<hbm>> -> memref<128x200xi32, #tpu.memory_space<hbm>>
      %dma_start3A_423 = arith.constant 0 : i32
      %dma_start3A_424 = tpu.memref_slice %arg2[%mul3A_2, %dma_start3A_423] : memref<4096x200xi32, #tpu.memory_space<hbm>> -> memref<128x200xi32, #tpu.memory_space<hbm>>
      tpu.enqueue_dma source(%dma_start3A_424 : memref<128x200xi32, #tpu.memory_space<hbm>>) target(%arg5 : memref<128x200xi32, #tpu.memory_space<vmem>>) target_semaphore(%run_scoped3A : memref<!tpu.dma_semaphore, #tpu.memory_space<semaphore_mem>>)
      %dma_wait3A_425 = arith.constant 0 : i32
      %dma_wait3A_426 = tpu.memref_slice %arg2[%mul3A_2, %dma_wait3A_425] : memref<4096x200xi32, #tpu.memory_space<hbm>> -> memref<128x200xi32, #tpu.memory_space<hbm>>
      %dma_wait3A_427 = arith.constant 0 : i32
      %dma_wait3A_428 = tpu.memref_slice %arg2[%mul3A_2, %dma_wait3A_427] : memref<4096x200xi32, #tpu.memory_space<hbm>> -> memref<128x200xi32, #tpu.memory_space<hbm>>
      tpu.wait_dma2 semaphore(%run_scoped3A : memref<!tpu.dma_semaphore, #tpu.memory_space<semaphore_mem>>) src(%dma_wait3A_428 : memref<128x200xi32, #tpu.memory_space<hbm>>) dst(%arg5 : memref<128x200xi32, #tpu.memory_space<vmem>>)
      tpu.yield
    }) : () -> ()
    %dma_start3A = arith.constant 0 : i32
    %dma_start3A_3 = arith.constant 0 : i32
    %dma_start3A_4 = arith.constant 0 : i32
    %dma_start3A_5 = arith.constant 0 : i32
    %dma_start3A_6 = tpu.memref_slice %arg6[%dma_start3A_3, %dma_start3A_4, %dma_start3A_5] : memref<4x200x64xf32, #tpu.memory_space<vmem>> -> memref<1x128x64xf32, #tpu.memory_space<vmem>>
    %dma_start3A_7 = tpu.memref_squeeze %dma_start3A_6 : memref<1x128x64xf32, #tpu.memory_space<vmem>> -> memref<128x64xf32, #tpu.memory_space<vmem>>
    %dma_start3A_8 = arith.constant 0 : i32
    %dma_start3A_9 = tpu.memref_slice %arg5[%dma_start3A, %dma_start3A_8] : memref<128x200xi32, #tpu.memory_space<vmem>> -> memref<1x128xi32, #tpu.memory_space<vmem>>
    %dma_start3A_10 = tpu.memref_squeeze %dma_start3A_9 : memref<1x128xi32, #tpu.memory_space<vmem>> -> memref<128xi32, #tpu.memory_space<vmem>>
    %dma_start3A_11 = arith.constant 0 : i32
    %dma_start3A_12 = arith.constant 0 : i32
    %dma_start3A_13 = tpu.memref_slice %arg3[%dma_start3A_11, %dma_start3A_12] : memref<100000x64xf32, #tpu.memory_space<hbm>> -> memref<100000x64xf32, #tpu.memory_space<hbm>>
    tpu.enqueue_indirect_dma source(%dma_start3A_13 : memref<100000x64xf32, #tpu.memory_space<hbm>>) target(%dma_start3A_7 : memref<128x64xf32, #tpu.memory_space<vmem>>) offsets(%dma_start3A_10 : memref<128xi32, #tpu.memory_space<vmem>>) semaphore(%arg8 : memref<!tpu.dma_semaphore, #tpu.memory_space<semaphore_mem>>)
    %dma_start3A_14 = arith.constant 0 : i32
    %dma_start3A_15 = arith.constant 0 : i32
    %dma_start3A_16 = arith.constant 128 : i32
    %dma_start3A_17 = arith.constant 0 : i32
    %dma_start3A_18 = tpu.memref_slice %arg6[%dma_start3A_15, %dma_start3A_16, %dma_start3A_17] : memref<4x200x64xf32, #tpu.memory_space<vmem>> -> memref<1x72x64xf32, #tpu.memory_space<vmem>>
    %dma_start3A_19 = tpu.memref_squeeze %dma_start3A_18 : memref<1x72x64xf32, #tpu.memory_space<vmem>> -> memref<72x64xf32, #tpu.memory_space<vmem>>
    %dma_start3A_20 = arith.constant 128 : i32
    %dma_start3A_21 = tpu.memref_slice %arg5[%dma_start3A_14, %dma_start3A_20] : memref<128x200xi32, #tpu.memory_space<vmem>> -> memref<1x72xi32, #tpu.memory_space<vmem>>
    %dma_start3A_22 = tpu.memref_squeeze %dma_start3A_21 : memref<1x72xi32, #tpu.memory_space<vmem>> -> memref<72xi32, #tpu.memory_space<vmem>>
    %dma_start3A_23 = arith.constant 0 : i32
    %dma_start3A_24 = arith.constant 0 : i32
    %dma_start3A_25 = tpu.memref_slice %arg3[%dma_start3A_23, %dma_start3A_24] : memref<100000x64xf32, #tpu.memory_space<hbm>> -> memref<100000x64xf32, #tpu.memory_space<hbm>>
    tpu.enqueue_indirect_dma source(%dma_start3A_25 : memref<100000x64xf32, #tpu.memory_space<hbm>>) target(%dma_start3A_19 : memref<72x64xf32, #tpu.memory_space<vmem>>) offsets(%dma_start3A_22 : memref<72xi32, #tpu.memory_space<vmem>>) semaphore(%arg8 : memref<!tpu.dma_semaphore, #tpu.memory_space<semaphore_mem>>)
    %dma_start3A_26 = arith.constant 1 : i32
    %dma_start3A_27 = arith.constant 1 : i32
    %dma_start3A_28 = arith.constant 0 : i32
    %dma_start3A_29 = arith.constant 0 : i32
    %dma_start3A_30 = tpu.memref_slice %arg6[%dma_start3A_27, %dma_start3A_28, %dma_start3A_29] : memref<4x200x64xf32, #tpu.memory_space<vmem>> -> memref<1x128x64xf32, #tpu.memory_space<vmem>>
    %dma_start3A_31 = tpu.memref_squeeze %dma_start3A_30 : memref<1x128x64xf32, #tpu.memory_space<vmem>> -> memref<128x64xf32, #tpu.memory_space<vmem>>
    %dma_start3A_32 = arith.constant 0 : i32
    %dma_start3A_33 = tpu.memref_slice %arg5[%dma_start3A_26, %dma_start3A_32] : memref<128x200xi32, #tpu.memory_space<vmem>> -> memref<1x128xi32, #tpu.memory_space<vmem>>
    %dma_start3A_34 = tpu.memref_squeeze %dma_start3A_33 : memref<1x128xi32, #tpu.memory_space<vmem>> -> memref<128xi32, #tpu.memory_space<vmem>>
    %dma_start3A_35 = arith.constant 0 : i32
    %dma_start3A_36 = arith.constant 0 : i32
    %dma_start3A_37 = tpu.memref_slice %arg3[%dma_start3A_35, %dma_start3A_36] : memref<100000x64xf32, #tpu.memory_space<hbm>> -> memref<100000x64xf32, #tpu.memory_space<hbm>>
    tpu.enqueue_indirect_dma source(%dma_start3A_37 : memref<100000x64xf32, #tpu.memory_space<hbm>>) target(%dma_start3A_31 : memref<128x64xf32, #tpu.memory_space<vmem>>) offsets(%dma_start3A_34 : memref<128xi32, #tpu.memory_space<vmem>>) semaphore(%arg8 : memref<!tpu.dma_semaphore, #tpu.memory_space<semaphore_mem>>)
    %dma_start3A_38 = arith.constant 1 : i32
    %dma_start3A_39 = arith.constant 1 : i32
    %dma_start3A_40 = arith.constant 128 : i32
    %dma_start3A_41 = arith.constant 0 : i32
    %dma_start3A_42 = tpu.memref_slice %arg6[%dma_start3A_39, %dma_start3A_40, %dma_start3A_41] : memref<4x200x64xf32, #tpu.memory_space<vmem>> -> memref<1x72x64xf32, #tpu.memory_space<vmem>>
    %dma_start3A_43 = tpu.memref_squeeze %dma_start3A_42 : memref<1x72x64xf32, #tpu.memory_space<vmem>> -> memref<72x64xf32, #tpu.memory_space<vmem>>
    %dma_start3A_44 = arith.constant 128 : i32
    %dma_start3A_45 = tpu.memref_slice %arg5[%dma_start3A_38, %dma_start3A_44] : memref<128x200xi32, #tpu.memory_space<vmem>> -> memref<1x72xi32, #tpu.memory_space<vmem>>
    %dma_start3A_46 = tpu.memref_squeeze %dma_start3A_45 : memref<1x72xi32, #tpu.memory_space<vmem>> -> memref<72xi32, #tpu.memory_space<vmem>>
    %dma_start3A_47 = arith.constant 0 : i32
    %dma_start3A_48 = arith.constant 0 : i32
    %dma_start3A_49 = tpu.memref_slice %arg3[%dma_start3A_47, %dma_start3A_48] : memref<100000x64xf32, #tpu.memory_space<hbm>> -> memref<100000x64xf32, #tpu.memory_space<hbm>>
    tpu.enqueue_indirect_dma source(%dma_start3A_49 : memref<100000x64xf32, #tpu.memory_space<hbm>>) target(%dma_start3A_43 : memref<72x64xf32, #tpu.memory_space<vmem>>) offsets(%dma_start3A_46 : memref<72xi32, #tpu.memory_space<vmem>>) semaphore(%arg8 : memref<!tpu.dma_semaphore, #tpu.memory_space<semaphore_mem>>)
    %dma_start3A_50 = arith.constant 2 : i32
    %dma_start3A_51 = arith.constant 2 : i32
    %dma_start3A_52 = arith.constant 0 : i32
    %dma_start3A_53 = arith.constant 0 : i32
    %dma_start3A_54 = tpu.memref_slice %arg6[%dma_start3A_51, %dma_start3A_52, %dma_start3A_53] : memref<4x200x64xf32, #tpu.memory_space<vmem>> -> memref<1x128x64xf32, #tpu.memory_space<vmem>>
    %dma_start3A_55 = tpu.memref_squeeze %dma_start3A_54 : memref<1x128x64xf32, #tpu.memory_space<vmem>> -> memref<128x64xf32, #tpu.memory_space<vmem>>
    %dma_start3A_56 = arith.constant 0 : i32
    %dma_start3A_57 = tpu.memref_slice %arg5[%dma_start3A_50, %dma_start3A_56] : memref<128x200xi32, #tpu.memory_space<vmem>> -> memref<1x128xi32, #tpu.memory_space<vmem>>
    %dma_start3A_58 = tpu.memref_squeeze %dma_start3A_57 : memref<1x128xi32, #tpu.memory_space<vmem>> -> memref<128xi32, #tpu.memory_space<vmem>>
    %dma_start3A_59 = arith.constant 0 : i32
    %dma_start3A_60 = arith.constant 0 : i32
    %dma_start3A_61 = tpu.memref_slice %arg3[%dma_start3A_59, %dma_start3A_60] : memref<100000x64xf32, #tpu.memory_space<hbm>> -> memref<100000x64xf32, #tpu.memory_space<hbm>>
    tpu.enqueue_indirect_dma source(%dma_start3A_61 : memref<100000x64xf32, #tpu.memory_space<hbm>>) target(%dma_start3A_55 : memref<128x64xf32, #tpu.memory_space<vmem>>) offsets(%dma_start3A_58 : memref<128xi32, #tpu.memory_space<vmem>>) semaphore(%arg8 : memref<!tpu.dma_semaphore, #tpu.memory_space<semaphore_mem>>)
    %dma_start3A_62 = arith.constant 2 : i32
    %dma_start3A_63 = arith.constant 2 : i32
    %dma_start3A_64 = arith.constant 128 : i32
    %dma_start3A_65 = arith.constant 0 : i32
    %dma_start3A_66 = tpu.memref_slice %arg6[%dma_start3A_63, %dma_start3A_64, %dma_start3A_65] : memref<4x200x64xf32, #tpu.memory_space<vmem>> -> memref<1x72x64xf32, #tpu.memory_space<vmem>>
    %dma_start3A_67 = tpu.memref_squeeze %dma_start3A_66 : memref<1x72x64xf32, #tpu.memory_space<vmem>> -> memref<72x64xf32, #tpu.memory_space<vmem>>
    %dma_start3A_68 = arith.constant 128 : i32
    %dma_start3A_69 = tpu.memref_slice %arg5[%dma_start3A_62, %dma_start3A_68] : memref<128x200xi32, #tpu.memory_space<vmem>> -> memref<1x72xi32, #tpu.memory_space<vmem>>
    %dma_start3A_70 = tpu.memref_squeeze %dma_start3A_69 : memref<1x72xi32, #tpu.memory_space<vmem>> -> memref<72xi32, #tpu.memory_space<vmem>>
    %dma_start3A_71 = arith.constant 0 : i32
    %dma_start3A_72 = arith.constant 0 : i32
    %dma_start3A_73 = tpu.memref_slice %arg3[%dma_start3A_71, %dma_start3A_72] : memref<100000x64xf32, #tpu.memory_space<hbm>> -> memref<100000x64xf32, #tpu.memory_space<hbm>>
    tpu.enqueue_indirect_dma source(%dma_start3A_73 : memref<100000x64xf32, #tpu.memory_space<hbm>>) target(%dma_start3A_67 : memref<72x64xf32, #tpu.memory_space<vmem>>) offsets(%dma_start3A_70 : memref<72xi32, #tpu.memory_space<vmem>>) semaphore(%arg8 : memref<!tpu.dma_semaphore, #tpu.memory_space<semaphore_mem>>)
    %dma_start3A_74 = arith.constant 3 : i32
    %dma_start3A_75 = arith.constant 3 : i32
    %dma_start3A_76 = arith.constant 0 : i32
    %dma_start3A_77 = arith.constant 0 : i32
    %dma_start3A_78 = tpu.memref_slice %arg6[%dma_start3A_75, %dma_start3A_76, %dma_start3A_77] : memref<4x200x64xf32, #tpu.memory_space<vmem>> -> memref<1x128x64xf32, #tpu.memory_space<vmem>>
    %dma_start3A_79 = tpu.memref_squeeze %dma_start3A_78 : memref<1x128x64xf32, #tpu.memory_space<vmem>> -> memref<128x64xf32, #tpu.memory_space<vmem>>
    %dma_start3A_80 = arith.constant 0 : i32
    %dma_start3A_81 = tpu.memref_slice %arg5[%dma_start3A_74, %dma_start3A_80] : memref<128x200xi32, #tpu.memory_space<vmem>> -> memref<1x128xi32, #tpu.memory_space<vmem>>
    %dma_start3A_82 = tpu.memref_squeeze %dma_start3A_81 : memref<1x128xi32, #tpu.memory_space<vmem>> -> memref<128xi32, #tpu.memory_space<vmem>>
    %dma_start3A_83 = arith.constant 0 : i32
    %dma_start3A_84 = arith.constant 0 : i32
    %dma_start3A_85 = tpu.memref_slice %arg3[%dma_start3A_83, %dma_start3A_84] : memref<100000x64xf32, #tpu.memory_space<hbm>> -> memref<100000x64xf32, #tpu.memory_space<hbm>>
    tpu.enqueue_indirect_dma source(%dma_start3A_85 : memref<100000x64xf32, #tpu.memory_space<hbm>>) target(%dma_start3A_79 : memref<128x64xf32, #tpu.memory_space<vmem>>) offsets(%dma_start3A_82 : memref<128xi32, #tpu.memory_space<vmem>>) semaphore(%arg8 : memref<!tpu.dma_semaphore, #tpu.memory_space<semaphore_mem>>)
    %dma_start3A_86 = arith.constant 3 : i32
    %dma_start3A_87 = arith.constant 3 : i32
    %dma_start3A_88 = arith.constant 128 : i32
    %dma_start3A_89 = arith.constant 0 : i32
    %dma_start3A_90 = tpu.memref_slice %arg6[%dma_start3A_87, %dma_start3A_88, %dma_start3A_89] : memref<4x200x64xf32, #tpu.memory_space<vmem>> -> memref<1x72x64xf32, #tpu.memory_space<vmem>>
    %dma_start3A_91 = tpu.memref_squeeze %dma_start3A_90 : memref<1x72x64xf32, #tpu.memory_space<vmem>> -> memref<72x64xf32, #tpu.memory_space<vmem>>
    %dma_start3A_92 = arith.constant 128 : i32
    %dma_start3A_93 = tpu.memref_slice %arg5[%dma_start3A_86, %dma_start3A_92] : memref<128x200xi32, #tpu.memory_space<vmem>> -> memref<1x72xi32, #tpu.memory_space<vmem>>
    %dma_start3A_94 = tpu.memref_squeeze %dma_start3A_93 : memref<1x72xi32, #tpu.memory_space<vmem>> -> memref<72xi32, #tpu.memory_space<vmem>>
    %dma_start3A_95 = arith.constant 0 : i32
    %dma_start3A_96 = arith.constant 0 : i32
    %dma_start3A_97 = tpu.memref_slice %arg3[%dma_start3A_95, %dma_start3A_96] : memref<100000x64xf32, #tpu.memory_space<hbm>> -> memref<100000x64xf32, #tpu.memory_space<hbm>>
    tpu.enqueue_indirect_dma source(%dma_start3A_97 : memref<100000x64xf32, #tpu.memory_space<hbm>>) target(%dma_start3A_91 : memref<72x64xf32, #tpu.memory_space<vmem>>) offsets(%dma_start3A_94 : memref<72xi32, #tpu.memory_space<vmem>>) semaphore(%arg8 : memref<!tpu.dma_semaphore, #tpu.memory_space<semaphore_mem>>)
    %scan3A = arith.constant 0 : i32
    %scan3A_98 = arith.constant 15 : i32
    %scan3A_99 = arith.addi %scan3A, %scan3A_98 : i32
    %scan3A_100 = arith.constant 1 : i32
    scf.for %scan3A_421 = %scan3A to %scan3A_99 step %scan3A_100  : i32 {
      %mul3A_422 = arith.constant 2 : i32
      %mul3A_423 = arith.muli %scan3A_421, %mul3A_422 : i32
      %add3A_424 = arith.constant 0 : i32
      %add3A_425 = arith.addi %add3A_424, %mul3A_423 : i32
      %add3A_426 = arith.constant 0 : i32
      %add3A_427 = arith.addi %add3A_425, %add3A_426 : i32
      %add3A_428 = arith.constant 2 : i32
      %add3A_429 = arith.addi %add3A_427, %add3A_428 : i32
      %sub3A = arith.constant 1 : i32
      %sub3A_430 = arith.subi %add3A_429, %sub3A : i32
      %mul3A_431 = arith.constant 4 : i32
      %mul3A_432 = arith.muli %sub3A_430, %mul3A_431 : i32
      %add3A_433 = arith.constant 0 : i32
      %add3A_434 = arith.addi %mul3A_432, %add3A_433 : i32
      %dma_start3A_435 = arith.constant 0 : i32
      %dma_start3A_436 = arith.constant 0 : i32
      %dma_start3A_437 = arith.constant 0 : i32
      %dma_start3A_438 = tpu.memref_slice %arg7[%dma_start3A_435, %dma_start3A_436, %dma_start3A_437] : memref<4x200x64xf32, #tpu.memory_space<vmem>> -> memref<1x128x64xf32, #tpu.memory_space<vmem>>
      %dma_start3A_439 = tpu.memref_squeeze %dma_start3A_438 : memref<1x128x64xf32, #tpu.memory_space<vmem>> -> memref<128x64xf32, #tpu.memory_space<vmem>>
      %dma_start3A_440 = arith.constant 0 : i32
      %dma_start3A_441 = tpu.memref_slice %arg5[%add3A_434, %dma_start3A_440] : memref<128x200xi32, #tpu.memory_space<vmem>> -> memref<1x128xi32, #tpu.memory_space<vmem>>
      %dma_start3A_442 = tpu.memref_squeeze %dma_start3A_441 : memref<1x128xi32, #tpu.memory_space<vmem>> -> memref<128xi32, #tpu.memory_space<vmem>>
      %dma_start3A_443 = arith.constant 0 : i32
      %dma_start3A_444 = arith.constant 0 : i32
      %dma_start3A_445 = tpu.memref_slice %arg3[%dma_start3A_443, %dma_start3A_444] : memref<100000x64xf32, #tpu.memory_space<hbm>> -> memref<100000x64xf32, #tpu.memory_space<hbm>>
      tpu.enqueue_indirect_dma source(%dma_start3A_445 : memref<100000x64xf32, #tpu.memory_space<hbm>>) target(%dma_start3A_439 : memref<128x64xf32, #tpu.memory_space<vmem>>) offsets(%dma_start3A_442 : memref<128xi32, #tpu.memory_space<vmem>>) semaphore(%arg9 : memref<!tpu.dma_semaphore, #tpu.memory_space<semaphore_mem>>)
      %mul3A_446 = arith.constant 4 : i32
      %mul3A_447 = arith.muli %sub3A_430, %mul3A_446 : i32
      %add3A_448 = arith.constant 0 : i32
      %add3A_449 = arith.addi %mul3A_447, %add3A_448 : i32
      %dma_start3A_450 = arith.constant 0 : i32
      %dma_start3A_451 = arith.constant 128 : i32
      %dma_start3A_452 = arith.constant 0 : i32
      %dma_start3A_453 = tpu.memref_slice %arg7[%dma_start3A_450, %dma_start3A_451, %dma_start3A_452] : memref<4x200x64xf32, #tpu.memory_space<vmem>> -> memref<1x72x64xf32, #tpu.memory_space<vmem>>
      %dma_start3A_454 = tpu.memref_squeeze %dma_start3A_453 : memref<1x72x64xf32, #tpu.memory_space<vmem>> -> memref<72x64xf32, #tpu.memory_space<vmem>>
      %dma_start3A_455 = arith.constant 128 : i32
      %dma_start3A_456 = tpu.memref_slice %arg5[%add3A_449, %dma_start3A_455] : memref<128x200xi32, #tpu.memory_space<vmem>> -> memref<1x72xi32, #tpu.memory_space<vmem>>
      %dma_start3A_457 = tpu.memref_squeeze %dma_start3A_456 : memref<1x72xi32, #tpu.memory_space<vmem>> -> memref<72xi32, #tpu.memory_space<vmem>>
      %dma_start3A_458 = arith.constant 0 : i32
      %dma_start3A_459 = arith.constant 0 : i32
      %dma_start3A_460 = tpu.memref_slice %arg3[%dma_start3A_458, %dma_start3A_459] : memref<100000x64xf32, #tpu.memory_space<hbm>> -> memref<100000x64xf32, #tpu.memory_space<hbm>>
      tpu.enqueue_indirect_dma source(%dma_start3A_460 : memref<100000x64xf32, #tpu.memory_space<hbm>>) target(%dma_start3A_454 : memref<72x64xf32, #tpu.memory_space<vmem>>) offsets(%dma_start3A_457 : memref<72xi32, #tpu.memory_space<vmem>>) semaphore(%arg9 : memref<!tpu.dma_semaphore, #tpu.memory_space<semaphore_mem>>)
      %mul3A_461 = arith.constant 4 : i32
      %mul3A_462 = arith.muli %sub3A_430, %mul3A_461 : i32
      %add3A_463 = arith.constant 1 : i32
      %add3A_464 = arith.addi %mul3A_462, %add3A_463 : i32
      %dma_start3A_465 = arith.constant 1 : i32
      %dma_start3A_466 = arith.constant 0 : i32
      %dma_start3A_467 = arith.constant 0 : i32
      %dma_start3A_468 = tpu.memref_slice %arg7[%dma_start3A_465, %dma_start3A_466, %dma_start3A_467] : memref<4x200x64xf32, #tpu.memory_space<vmem>> -> memref<1x128x64xf32, #tpu.memory_space<vmem>>
      %dma_start3A_469 = tpu.memref_squeeze %dma_start3A_468 : memref<1x128x64xf32, #tpu.memory_space<vmem>> -> memref<128x64xf32, #tpu.memory_space<vmem>>
      %dma_start3A_470 = arith.constant 0 : i32
      %dma_start3A_471 = tpu.memref_slice %arg5[%add3A_464, %dma_start3A_470] : memref<128x200xi32, #tpu.memory_space<vmem>> -> memref<1x128xi32, #tpu.memory_space<vmem>>
      %dma_start3A_472 = tpu.memref_squeeze %dma_start3A_471 : memref<1x128xi32, #tpu.memory_space<vmem>> -> memref<128xi32, #tpu.memory_space<vmem>>
      %dma_start3A_473 = arith.constant 0 : i32
      %dma_start3A_474 = arith.constant 0 : i32
      %dma_start3A_475 = tpu.memref_slice %arg3[%dma_start3A_473, %dma_start3A_474] : memref<100000x64xf32, #tpu.memory_space<hbm>> -> memref<100000x64xf32, #tpu.memory_space<hbm>>
      tpu.enqueue_indirect_dma source(%dma_start3A_475 : memref<100000x64xf32, #tpu.memory_space<hbm>>) target(%dma_start3A_469 : memref<128x64xf32, #tpu.memory_space<vmem>>) offsets(%dma_start3A_472 : memref<128xi32, #tpu.memory_space<vmem>>) semaphore(%arg9 : memref<!tpu.dma_semaphore, #tpu.memory_space<semaphore_mem>>)
      %mul3A_476 = arith.constant 4 : i32
      %mul3A_477 = arith.muli %sub3A_430, %mul3A_476 : i32
      %add3A_478 = arith.constant 1 : i32
      %add3A_479 = arith.addi %mul3A_477, %add3A_478 : i32
      %dma_start3A_480 = arith.constant 1 : i32
      %dma_start3A_481 = arith.constant 128 : i32
      %dma_start3A_482 = arith.constant 0 : i32
      %dma_start3A_483 = tpu.memref_slice %arg7[%dma_start3A_480, %dma_start3A_481, %dma_start3A_482] : memref<4x200x64xf32, #tpu.memory_space<vmem>> -> memref<1x72x64xf32, #tpu.memory_space<vmem>>
      %dma_start3A_484 = tpu.memref_squeeze %dma_start3A_483 : memref<1x72x64xf32, #tpu.memory_space<vmem>> -> memref<72x64xf32, #tpu.memory_space<vmem>>
      %dma_start3A_485 = arith.constant 128 : i32
      %dma_start3A_486 = tpu.memref_slice %arg5[%add3A_479, %dma_start3A_485] : memref<128x200xi32, #tpu.memory_space<vmem>> -> memref<1x72xi32, #tpu.memory_space<vmem>>
      %dma_start3A_487 = tpu.memref_squeeze %dma_start3A_486 : memref<1x72xi32, #tpu.memory_space<vmem>> -> memref<72xi32, #tpu.memory_space<vmem>>
      %dma_start3A_488 = arith.constant 0 : i32
      %dma_start3A_489 = arith.constant 0 : i32
      %dma_start3A_490 = tpu.memref_slice %arg3[%dma_start3A_488, %dma_start3A_489] : memref<100000x64xf32, #tpu.memory_space<hbm>> -> memref<100000x64xf32, #tpu.memory_space<hbm>>
      tpu.enqueue_indirect_dma source(%dma_start3A_490 : memref<100000x64xf32, #tpu.memory_space<hbm>>) target(%dma_start3A_484 : memref<72x64xf32, #tpu.memory_space<vmem>>) offsets(%dma_start3A_487 : memref<72xi32, #tpu.memory_space<vmem>>) semaphore(%arg9 : memref<!tpu.dma_semaphore, #tpu.memory_space<semaphore_mem>>)
      %mul3A_491 = arith.constant 4 : i32
      %mul3A_492 = arith.muli %sub3A_430, %mul3A_491 : i32
      %add3A_493 = arith.constant 2 : i32
      %add3A_494 = arith.addi %mul3A_492, %add3A_493 : i32
      %dma_start3A_495 = arith.constant 2 : i32
      %dma_start3A_496 = arith.constant 0 : i32
      %dma_start3A_497 = arith.constant 0 : i32
      %dma_start3A_498 = tpu.memref_slice %arg7[%dma_start3A_495, %dma_start3A_496, %dma_start3A_497] : memref<4x200x64xf32, #tpu.memory_space<vmem>> -> memref<1x128x64xf32, #tpu.memory_space<vmem>>
      %dma_start3A_499 = tpu.memref_squeeze %dma_start3A_498 : memref<1x128x64xf32, #tpu.memory_space<vmem>> -> memref<128x64xf32, #tpu.memory_space<vmem>>
      %dma_start3A_500 = arith.constant 0 : i32
      %dma_start3A_501 = tpu.memref_slice %arg5[%add3A_494, %dma_start3A_500] : memref<128x200xi32, #tpu.memory_space<vmem>> -> memref<1x128xi32, #tpu.memory_space<vmem>>
      %dma_start3A_502 = tpu.memref_squeeze %dma_start3A_501 : memref<1x128xi32, #tpu.memory_space<vmem>> -> memref<128xi32, #tpu.memory_space<vmem>>
      %dma_start3A_503 = arith.constant 0 : i32
      %dma_start3A_504 = arith.constant 0 : i32
      %dma_start3A_505 = tpu.memref_slice %arg3[%dma_start3A_503, %dma_start3A_504] : memref<100000x64xf32, #tpu.memory_space<hbm>> -> memref<100000x64xf32, #tpu.memory_space<hbm>>
      tpu.enqueue_indirect_dma source(%dma_start3A_505 : memref<100000x64xf32, #tpu.memory_space<hbm>>) target(%dma_start3A_499 : memref<128x64xf32, #tpu.memory_space<vmem>>) offsets(%dma_start3A_502 : memref<128xi32, #tpu.memory_space<vmem>>) semaphore(%arg9 : memref<!tpu.dma_semaphore, #tpu.memory_space<semaphore_mem>>)
      %mul3A_506 = arith.constant 4 : i32
      %mul3A_507 = arith.muli %sub3A_430, %mul3A_506 : i32
      %add3A_508 = arith.constant 2 : i32
      %add3A_509 = arith.addi %mul3A_507, %add3A_508 : i32
      %dma_start3A_510 = arith.constant 2 : i32
      %dma_start3A_511 = arith.constant 128 : i32
      %dma_start3A_512 = arith.constant 0 : i32
      %dma_start3A_513 = tpu.memref_slice %arg7[%dma_start3A_510, %dma_start3A_511, %dma_start3A_512] : memref<4x200x64xf32, #tpu.memory_space<vmem>> -> memref<1x72x64xf32, #tpu.memory_space<vmem>>
      %dma_start3A_514 = tpu.memref_squeeze %dma_start3A_513 : memref<1x72x64xf32, #tpu.memory_space<vmem>> -> memref<72x64xf32, #tpu.memory_space<vmem>>
      %dma_start3A_515 = arith.constant 128 : i32
      %dma_start3A_516 = tpu.memref_slice %arg5[%add3A_509, %dma_start3A_515] : memref<128x200xi32, #tpu.memory_space<vmem>> -> memref<1x72xi32, #tpu.memory_space<vmem>>
      %dma_start3A_517 = tpu.memref_squeeze %dma_start3A_516 : memref<1x72xi32, #tpu.memory_space<vmem>> -> memref<72xi32, #tpu.memory_space<vmem>>
      %dma_start3A_518 = arith.constant 0 : i32
      %dma_start3A_519 = arith.constant 0 : i32
      %dma_start3A_520 = tpu.memref_slice %arg3[%dma_start3A_518, %dma_start3A_519] : memref<100000x64xf32, #tpu.memory_space<hbm>> -> memref<100000x64xf32, #tpu.memory_space<hbm>>
      tpu.enqueue_indirect_dma source(%dma_start3A_520 : memref<100000x64xf32, #tpu.memory_space<hbm>>) target(%dma_start3A_514 : memref<72x64xf32, #tpu.memory_space<vmem>>) offsets(%dma_start3A_517 : memref<72xi32, #tpu.memory_space<vmem>>) semaphore(%arg9 : memref<!tpu.dma_semaphore, #tpu.memory_space<semaphore_mem>>)
      %mul3A_521 = arith.constant 4 : i32
      %mul3A_522 = arith.muli %sub3A_430, %mul3A_521 : i32
      %add3A_523 = arith.constant 3 : i32
      %add3A_524 = arith.addi %mul3A_522, %add3A_523 : i32
      %dma_start3A_525 = arith.constant 3 : i32
      %dma_start3A_526 = arith.constant 0 : i32
      %dma_start3A_527 = arith.constant 0 : i32
      %dma_start3A_528 = tpu.memref_slice %arg7[%dma_start3A_525, %dma_start3A_526, %dma_start3A_527] : memref<4x200x64xf32, #tpu.memory_space<vmem>> -> memref<1x128x64xf32, #tpu.memory_space<vmem>>
      %dma_start3A_529 = tpu.memref_squeeze %dma_start3A_528 : memref<1x128x64xf32, #tpu.memory_space<vmem>> -> memref<128x64xf32, #tpu.memory_space<vmem>>
      %dma_start3A_530 = arith.constant 0 : i32
      %dma_start3A_531 = tpu.memref_slice %arg5[%add3A_524, %dma_start3A_530] : memref<128x200xi32, #tpu.memory_space<vmem>> -> memref<1x128xi32, #tpu.memory_space<vmem>>
      %dma_start3A_532 = tpu.memref_squeeze %dma_start3A_531 : memref<1x128xi32, #tpu.memory_space<vmem>> -> memref<128xi32, #tpu.memory_space<vmem>>
      %dma_start3A_533 = arith.constant 0 : i32
      %dma_start3A_534 = arith.constant 0 : i32
      %dma_start3A_535 = tpu.memref_slice %arg3[%dma_start3A_533, %dma_start3A_534] : memref<100000x64xf32, #tpu.memory_space<hbm>> -> memref<100000x64xf32, #tpu.memory_space<hbm>>
      tpu.enqueue_indirect_dma source(%dma_start3A_535 : memref<100000x64xf32, #tpu.memory_space<hbm>>) target(%dma_start3A_529 : memref<128x64xf32, #tpu.memory_space<vmem>>) offsets(%dma_start3A_532 : memref<128xi32, #tpu.memory_space<vmem>>) semaphore(%arg9 : memref<!tpu.dma_semaphore, #tpu.memory_space<semaphore_mem>>)
      %mul3A_536 = arith.constant 4 : i32
      %mul3A_537 = arith.muli %sub3A_430, %mul3A_536 : i32
      %add3A_538 = arith.constant 3 : i32
      %add3A_539 = arith.addi %mul3A_537, %add3A_538 : i32
      %dma_start3A_540 = arith.constant 3 : i32
      %dma_start3A_541 = arith.constant 128 : i32
      %dma_start3A_542 = arith.constant 0 : i32
      %dma_start3A_543 = tpu.memref_slice %arg7[%dma_start3A_540, %dma_start3A_541, %dma_start3A_542] : memref<4x200x64xf32, #tpu.memory_space<vmem>> -> memref<1x72x64xf32, #tpu.memory_space<vmem>>
      %dma_start3A_544 = tpu.memref_squeeze %dma_start3A_543 : memref<1x72x64xf32, #tpu.memory_space<vmem>> -> memref<72x64xf32, #tpu.memory_space<vmem>>
      %dma_start3A_545 = arith.constant 128 : i32
      %dma_start3A_546 = tpu.memref_slice %arg5[%add3A_539, %dma_start3A_545] : memref<128x200xi32, #tpu.memory_space<vmem>> -> memref<1x72xi32, #tpu.memory_space<vmem>>
      %dma_start3A_547 = tpu.memref_squeeze %dma_start3A_546 : memref<1x72xi32, #tpu.memory_space<vmem>> -> memref<72xi32, #tpu.memory_space<vmem>>
      %dma_start3A_548 = arith.constant 0 : i32
      %dma_start3A_549 = arith.constant 0 : i32
      %dma_start3A_550 = tpu.memref_slice %arg3[%dma_start3A_548, %dma_start3A_549] : memref<100000x64xf32, #tpu.memory_space<hbm>> -> memref<100000x64xf32, #tpu.memory_space<hbm>>
      tpu.enqueue_indirect_dma source(%dma_start3A_550 : memref<100000x64xf32, #tpu.memory_space<hbm>>) target(%dma_start3A_544 : memref<72x64xf32, #tpu.memory_space<vmem>>) offsets(%dma_start3A_547 : memref<72xi32, #tpu.memory_space<vmem>>) semaphore(%arg9 : memref<!tpu.dma_semaphore, #tpu.memory_space<semaphore_mem>>)
      %add3A_551 = arith.constant 0 : i32
      %add3A_552 = arith.addi %add3A_425, %add3A_551 : i32
      %mul3A_553 = arith.constant 4 : i32
      %mul3A_554 = arith.muli %add3A_552, %mul3A_553 : i32
      %add3A_555 = arith.constant 0 : i32
      %add3A_556 = arith.addi %mul3A_554, %add3A_555 : i32
      %dma_wait3A_557 = arith.constant 0 : i32
      %dma_wait3A_558 = arith.constant 0 : i32
      %dma_wait3A_559 = arith.constant 0 : i32
      %dma_wait3A_560 = tpu.memref_slice %arg6[%dma_wait3A_557, %dma_wait3A_558, %dma_wait3A_559] : memref<4x200x64xf32, #tpu.memory_space<vmem>> -> memref<1x128x64xf32, #tpu.memory_space<vmem>>
      %dma_wait3A_561 = tpu.memref_squeeze %dma_wait3A_560 : memref<1x128x64xf32, #tpu.memory_space<vmem>> -> memref<128x64xf32, #tpu.memory_space<vmem>>
      %dma_wait3A_562 = arith.constant 0 : i32
      %dma_wait3A_563 = tpu.memref_slice %arg5[%add3A_556, %dma_wait3A_562] : memref<128x200xi32, #tpu.memory_space<vmem>> -> memref<1x128xi32, #tpu.memory_space<vmem>>
      %dma_wait3A_564 = tpu.memref_squeeze %dma_wait3A_563 : memref<1x128xi32, #tpu.memory_space<vmem>> -> memref<128xi32, #tpu.memory_space<vmem>>
      %dma_wait3A_565 = arith.constant 0 : i32
      %dma_wait3A_566 = arith.constant 0 : i32
      %dma_wait3A_567 = tpu.memref_slice %arg3[%dma_wait3A_565, %dma_wait3A_566] : memref<100000x64xf32, #tpu.memory_space<hbm>> -> memref<100000x64xf32, #tpu.memory_space<hbm>>
      tpu.wait_indirect_dma semaphore(%arg8 : memref<!tpu.dma_semaphore, #tpu.memory_space<semaphore_mem>>) src(%dma_wait3A_567 : memref<100000x64xf32, #tpu.memory_space<hbm>>) dst(%dma_wait3A_561 : memref<128x64xf32, #tpu.memory_space<vmem>>)
      %mul3A_568 = arith.constant 4 : i32
      %mul3A_569 = arith.muli %add3A_552, %mul3A_568 : i32
      %add3A_570 = arith.constant 0 : i32
      %add3A_571 = arith.addi %mul3A_569, %add3A_570 : i32
      %dma_wait3A_572 = arith.constant 0 : i32
      %dma_wait3A_573 = arith.constant 128 : i32
      %dma_wait3A_574 = arith.constant 0 : i32
      %dma_wait3A_575 = tpu.memref_slice %arg6[%dma_wait3A_572, %dma_wait3A_573, %dma_wait3A_574] : memref<4x200x64xf32, #tpu.memory_space<vmem>> -> memref<1x72x64xf32, #tpu.memory_space<vmem>>
      %dma_wait3A_576 = tpu.memref_squeeze %dma_wait3A_575 : memref<1x72x64xf32, #tpu.memory_space<vmem>> -> memref<72x64xf32, #tpu.memory_space<vmem>>
      %dma_wait3A_577 = arith.constant 128 : i32
      %dma_wait3A_578 = tpu.memref_slice %arg5[%add3A_571, %dma_wait3A_577] : memref<128x200xi32, #tpu.memory_space<vmem>> -> memref<1x72xi32, #tpu.memory_space<vmem>>
      %dma_wait3A_579 = tpu.memref_squeeze %dma_wait3A_578 : memref<1x72xi32, #tpu.memory_space<vmem>> -> memref<72xi32, #tpu.memory_space<vmem>>
      %dma_wait3A_580 = arith.constant 0 : i32
      %dma_wait3A_581 = arith.constant 0 : i32
      %dma_wait3A_582 = tpu.memref_slice %arg3[%dma_wait3A_580, %dma_wait3A_581] : memref<100000x64xf32, #tpu.memory_space<hbm>> -> memref<100000x64xf32, #tpu.memory_space<hbm>>
      tpu.wait_indirect_dma semaphore(%arg8 : memref<!tpu.dma_semaphore, #tpu.memory_space<semaphore_mem>>) src(%dma_wait3A_582 : memref<100000x64xf32, #tpu.memory_space<hbm>>) dst(%dma_wait3A_576 : memref<72x64xf32, #tpu.memory_space<vmem>>)
      %mul3A_583 = arith.constant 4 : i32
      %mul3A_584 = arith.muli %add3A_552, %mul3A_583 : i32
      %add3A_585 = arith.constant 1 : i32
      %add3A_586 = arith.addi %mul3A_584, %add3A_585 : i32
      %dma_wait3A_587 = arith.constant 1 : i32
      %dma_wait3A_588 = arith.constant 0 : i32
      %dma_wait3A_589 = arith.constant 0 : i32
      %dma_wait3A_590 = tpu.memref_slice %arg6[%dma_wait3A_587, %dma_wait3A_588, %dma_wait3A_589] : memref<4x200x64xf32, #tpu.memory_space<vmem>> -> memref<1x128x64xf32, #tpu.memory_space<vmem>>
      %dma_wait3A_591 = tpu.memref_squeeze %dma_wait3A_590 : memref<1x128x64xf32, #tpu.memory_space<vmem>> -> memref<128x64xf32, #tpu.memory_space<vmem>>
      %dma_wait3A_592 = arith.constant 0 : i32
      %dma_wait3A_593 = tpu.memref_slice %arg5[%add3A_586, %dma_wait3A_592] : memref<128x200xi32, #tpu.memory_space<vmem>> -> memref<1x128xi32, #tpu.memory_space<vmem>>
      %dma_wait3A_594 = tpu.memref_squeeze %dma_wait3A_593 : memref<1x128xi32, #tpu.memory_space<vmem>> -> memref<128xi32, #tpu.memory_space<vmem>>
      %dma_wait3A_595 = arith.constant 0 : i32
      %dma_wait3A_596 = arith.constant 0 : i32
      %dma_wait3A_597 = tpu.memref_slice %arg3[%dma_wait3A_595, %dma_wait3A_596] : memref<100000x64xf32, #tpu.memory_space<hbm>> -> memref<100000x64xf32, #tpu.memory_space<hbm>>
      tpu.wait_indirect_dma semaphore(%arg8 : memref<!tpu.dma_semaphore, #tpu.memory_space<semaphore_mem>>) src(%dma_wait3A_597 : memref<100000x64xf32, #tpu.memory_space<hbm>>) dst(%dma_wait3A_591 : memref<128x64xf32, #tpu.memory_space<vmem>>)
      %mul3A_598 = arith.constant 4 : i32
      %mul3A_599 = arith.muli %add3A_552, %mul3A_598 : i32
      %add3A_600 = arith.constant 1 : i32
      %add3A_601 = arith.addi %mul3A_599, %add3A_600 : i32
      %dma_wait3A_602 = arith.constant 1 : i32
      %dma_wait3A_603 = arith.constant 128 : i32
      %dma_wait3A_604 = arith.constant 0 : i32
      %dma_wait3A_605 = tpu.memref_slice %arg6[%dma_wait3A_602, %dma_wait3A_603, %dma_wait3A_604] : memref<4x200x64xf32, #tpu.memory_space<vmem>> -> memref<1x72x64xf32, #tpu.memory_space<vmem>>
      %dma_wait3A_606 = tpu.memref_squeeze %dma_wait3A_605 : memref<1x72x64xf32, #tpu.memory_space<vmem>> -> memref<72x64xf32, #tpu.memory_space<vmem>>
      %dma_wait3A_607 = arith.constant 128 : i32
      %dma_wait3A_608 = tpu.memref_slice %arg5[%add3A_601, %dma_wait3A_607] : memref<128x200xi32, #tpu.memory_space<vmem>> -> memref<1x72xi32, #tpu.memory_space<vmem>>
      %dma_wait3A_609 = tpu.memref_squeeze %dma_wait3A_608 : memref<1x72xi32, #tpu.memory_space<vmem>> -> memref<72xi32, #tpu.memory_space<vmem>>
      %dma_wait3A_610 = arith.constant 0 : i32
      %dma_wait3A_611 = arith.constant 0 : i32
      %dma_wait3A_612 = tpu.memref_slice %arg3[%dma_wait3A_610, %dma_wait3A_611] : memref<100000x64xf32, #tpu.memory_space<hbm>> -> memref<100000x64xf32, #tpu.memory_space<hbm>>
      tpu.wait_indirect_dma semaphore(%arg8 : memref<!tpu.dma_semaphore, #tpu.memory_space<semaphore_mem>>) src(%dma_wait3A_612 : memref<100000x64xf32, #tpu.memory_space<hbm>>) dst(%dma_wait3A_606 : memref<72x64xf32, #tpu.memory_space<vmem>>)
      %mul3A_613 = arith.constant 4 : i32
      %mul3A_614 = arith.muli %add3A_552, %mul3A_613 : i32
      %add3A_615 = arith.constant 2 : i32
      %add3A_616 = arith.addi %mul3A_614, %add3A_615 : i32
      %dma_wait3A_617 = arith.constant 2 : i32
      %dma_wait3A_618 = arith.constant 0 : i32
      %dma_wait3A_619 = arith.constant 0 : i32
      %dma_wait3A_620 = tpu.memref_slice %arg6[%dma_wait3A_617, %dma_wait3A_618, %dma_wait3A_619] : memref<4x200x64xf32, #tpu.memory_space<vmem>> -> memref<1x128x64xf32, #tpu.memory_space<vmem>>
      %dma_wait3A_621 = tpu.memref_squeeze %dma_wait3A_620 : memref<1x128x64xf32, #tpu.memory_space<vmem>> -> memref<128x64xf32, #tpu.memory_space<vmem>>
      %dma_wait3A_622 = arith.constant 0 : i32
      %dma_wait3A_623 = tpu.memref_slice %arg5[%add3A_616, %dma_wait3A_622] : memref<128x200xi32, #tpu.memory_space<vmem>> -> memref<1x128xi32, #tpu.memory_space<vmem>>
      %dma_wait3A_624 = tpu.memref_squeeze %dma_wait3A_623 : memref<1x128xi32, #tpu.memory_space<vmem>> -> memref<128xi32, #tpu.memory_space<vmem>>
      %dma_wait3A_625 = arith.constant 0 : i32
      %dma_wait3A_626 = arith.constant 0 : i32
      %dma_wait3A_627 = tpu.memref_slice %arg3[%dma_wait3A_625, %dma_wait3A_626] : memref<100000x64xf32, #tpu.memory_space<hbm>> -> memref<100000x64xf32, #tpu.memory_space<hbm>>
      tpu.wait_indirect_dma semaphore(%arg8 : memref<!tpu.dma_semaphore, #tpu.memory_space<semaphore_mem>>) src(%dma_wait3A_627 : memref<100000x64xf32, #tpu.memory_space<hbm>>) dst(%dma_wait3A_621 : memref<128x64xf32, #tpu.memory_space<vmem>>)
      %mul3A_628 = arith.constant 4 : i32
      %mul3A_629 = arith.muli %add3A_552, %mul3A_628 : i32
      %add3A_630 = arith.constant 2 : i32
      %add3A_631 = arith.addi %mul3A_629, %add3A_630 : i32
      %dma_wait3A_632 = arith.constant 2 : i32
      %dma_wait3A_633 = arith.constant 128 : i32
      %dma_wait3A_634 = arith.constant 0 : i32
      %dma_wait3A_635 = tpu.memref_slice %arg6[%dma_wait3A_632, %dma_wait3A_633, %dma_wait3A_634] : memref<4x200x64xf32, #tpu.memory_space<vmem>> -> memref<1x72x64xf32, #tpu.memory_space<vmem>>
      %dma_wait3A_636 = tpu.memref_squeeze %dma_wait3A_635 : memref<1x72x64xf32, #tpu.memory_space<vmem>> -> memref<72x64xf32, #tpu.memory_space<vmem>>
      %dma_wait3A_637 = arith.constant 128 : i32
      %dma_wait3A_638 = tpu.memref_slice %arg5[%add3A_631, %dma_wait3A_637] : memref<128x200xi32, #tpu.memory_space<vmem>> -> memref<1x72xi32, #tpu.memory_space<vmem>>
      %dma_wait3A_639 = tpu.memref_squeeze %dma_wait3A_638 : memref<1x72xi32, #tpu.memory_space<vmem>> -> memref<72xi32, #tpu.memory_space<vmem>>
      %dma_wait3A_640 = arith.constant 0 : i32
      %dma_wait3A_641 = arith.constant 0 : i32
      %dma_wait3A_642 = tpu.memref_slice %arg3[%dma_wait3A_640, %dma_wait3A_641] : memref<100000x64xf32, #tpu.memory_space<hbm>> -> memref<100000x64xf32, #tpu.memory_space<hbm>>
      tpu.wait_indirect_dma semaphore(%arg8 : memref<!tpu.dma_semaphore, #tpu.memory_space<semaphore_mem>>) src(%dma_wait3A_642 : memref<100000x64xf32, #tpu.memory_space<hbm>>) dst(%dma_wait3A_636 : memref<72x64xf32, #tpu.memory_space<vmem>>)
      %mul3A_643 = arith.constant 4 : i32
      %mul3A_644 = arith.muli %add3A_552, %mul3A_643 : i32
      %add3A_645 = arith.constant 3 : i32
      %add3A_646 = arith.addi %mul3A_644, %add3A_645 : i32
      %dma_wait3A_647 = arith.constant 3 : i32
      %dma_wait3A_648 = arith.constant 0 : i32
      %dma_wait3A_649 = arith.constant 0 : i32
      %dma_wait3A_650 = tpu.memref_slice %arg6[%dma_wait3A_647, %dma_wait3A_648, %dma_wait3A_649] : memref<4x200x64xf32, #tpu.memory_space<vmem>> -> memref<1x128x64xf32, #tpu.memory_space<vmem>>
      %dma_wait3A_651 = tpu.memref_squeeze %dma_wait3A_650 : memref<1x128x64xf32, #tpu.memory_space<vmem>> -> memref<128x64xf32, #tpu.memory_space<vmem>>
      %dma_wait3A_652 = arith.constant 0 : i32
      %dma_wait3A_653 = tpu.memref_slice %arg5[%add3A_646, %dma_wait3A_652] : memref<128x200xi32, #tpu.memory_space<vmem>> -> memref<1x128xi32, #tpu.memory_space<vmem>>
      %dma_wait3A_654 = tpu.memref_squeeze %dma_wait3A_653 : memref<1x128xi32, #tpu.memory_space<vmem>> -> memref<128xi32, #tpu.memory_space<vmem>>
      %dma_wait3A_655 = arith.constant 0 : i32
      %dma_wait3A_656 = arith.constant 0 : i32
      %dma_wait3A_657 = tpu.memref_slice %arg3[%dma_wait3A_655, %dma_wait3A_656] : memref<100000x64xf32, #tpu.memory_space<hbm>> -> memref<100000x64xf32, #tpu.memory_space<hbm>>
      tpu.wait_indirect_dma semaphore(%arg8 : memref<!tpu.dma_semaphore, #tpu.memory_space<semaphore_mem>>) src(%dma_wait3A_657 : memref<100000x64xf32, #tpu.memory_space<hbm>>) dst(%dma_wait3A_651 : memref<128x64xf32, #tpu.memory_space<vmem>>)
      %mul3A_658 = arith.constant 4 : i32
      %mul3A_659 = arith.muli %add3A_552, %mul3A_658 : i32
      %add3A_660 = arith.constant 3 : i32
      %add3A_661 = arith.addi %mul3A_659, %add3A_660 : i32
      %dma_wait3A_662 = arith.constant 3 : i32
      %dma_wait3A_663 = arith.constant 128 : i32
      %dma_wait3A_664 = arith.constant 0 : i32
      %dma_wait3A_665 = tpu.memref_slice %arg6[%dma_wait3A_662, %dma_wait3A_663, %dma_wait3A_664] : memref<4x200x64xf32, #tpu.memory_space<vmem>> -> memref<1x72x64xf32, #tpu.memory_space<vmem>>
      %dma_wait3A_666 = tpu.memref_squeeze %dma_wait3A_665 : memref<1x72x64xf32, #tpu.memory_space<vmem>> -> memref<72x64xf32, #tpu.memory_space<vmem>>
      %dma_wait3A_667 = arith.constant 128 : i32
      %dma_wait3A_668 = tpu.memref_slice %arg5[%add3A_661, %dma_wait3A_667] : memref<128x200xi32, #tpu.memory_space<vmem>> -> memref<1x72xi32, #tpu.memory_space<vmem>>
      %dma_wait3A_669 = tpu.memref_squeeze %dma_wait3A_668 : memref<1x72xi32, #tpu.memory_space<vmem>> -> memref<72xi32, #tpu.memory_space<vmem>>
      %dma_wait3A_670 = arith.constant 0 : i32
      %dma_wait3A_671 = arith.constant 0 : i32
      %dma_wait3A_672 = tpu.memref_slice %arg3[%dma_wait3A_670, %dma_wait3A_671] : memref<100000x64xf32, #tpu.memory_space<hbm>> -> memref<100000x64xf32, #tpu.memory_space<hbm>>
      tpu.wait_indirect_dma semaphore(%arg8 : memref<!tpu.dma_semaphore, #tpu.memory_space<semaphore_mem>>) src(%dma_wait3A_672 : memref<100000x64xf32, #tpu.memory_space<hbm>>) dst(%dma_wait3A_666 : memref<72x64xf32, #tpu.memory_space<vmem>>)
      %mul3A_673 = arith.constant 4 : i32
      %mul3A_674 = arith.muli %add3A_552, %mul3A_673 : i32
      %add3A_675 = arith.addi %mul3A_2, %mul3A_674 : i32
      %dma_start3A_676 = arith.constant 0 : i32
      %dma_start3A_677 = arith.constant 0 : i32
      %dma_start3A_678 = tpu.memref_slice %arg4[%add3A_675, %dma_start3A_676, %dma_start3A_677] : memref<4096x200x128xf32, #tpu.memory_space<hbm>> -> memref<4x200x64xf32, #tpu.memory_space<hbm>>
      %dma_start3A_679 = arith.constant 0 : i32
      %dma_start3A_680 = arith.constant 0 : i32
      %dma_start3A_681 = tpu.memref_slice %arg4[%add3A_675, %dma_start3A_679, %dma_start3A_680] : memref<4096x200x128xf32, #tpu.memory_space<hbm>> -> memref<4x200x64xf32, #tpu.memory_space<hbm>>
      tpu.enqueue_dma source(%arg6 : memref<4x200x64xf32, #tpu.memory_space<vmem>>) target(%dma_start3A_681 : memref<4x200x64xf32, #tpu.memory_space<hbm>>) target_semaphore(%arg10 : memref<!tpu.dma_semaphore, #tpu.memory_space<semaphore_mem>>)
      %mul3A_682 = arith.constant 4 : i32
      %mul3A_683 = arith.muli %add3A_552, %mul3A_682 : i32
      %add3A_684 = arith.addi %mul3A_2, %mul3A_683 : i32
      %dma_wait3A_685 = arith.constant 0 : i32
      %dma_wait3A_686 = arith.constant 0 : i32
      %dma_wait3A_687 = tpu.memref_slice %arg4[%add3A_684, %dma_wait3A_685, %dma_wait3A_686] : memref<4096x200x128xf32, #tpu.memory_space<hbm>> -> memref<4x200x64xf32, #tpu.memory_space<hbm>>
      %dma_wait3A_688 = arith.constant 0 : i32
      %dma_wait3A_689 = arith.constant 0 : i32
      %dma_wait3A_690 = tpu.memref_slice %arg4[%add3A_684, %dma_wait3A_688, %dma_wait3A_689] : memref<4096x200x128xf32, #tpu.memory_space<hbm>> -> memref<4x200x64xf32, #tpu.memory_space<hbm>>
      tpu.wait_dma2 semaphore(%arg10 : memref<!tpu.dma_semaphore, #tpu.memory_space<semaphore_mem>>) src(%arg6 : memref<4x200x64xf32, #tpu.memory_space<vmem>>) dst(%dma_wait3A_690 : memref<4x200x64xf32, #tpu.memory_space<hbm>>)
      %add3A_691 = arith.constant 1 : i32
      %add3A_692 = arith.addi %add3A_425, %add3A_691 : i32
      %add3A_693 = arith.constant 2 : i32
      %add3A_694 = arith.addi %add3A_692, %add3A_693 : i32
      %sub3A_695 = arith.constant 1 : i32
      %sub3A_696 = arith.subi %add3A_694, %sub3A_695 : i32
      %mul3A_697 = arith.constant 4 : i32
      %mul3A_698 = arith.muli %sub3A_696, %mul3A_697 : i32
      %add3A_699 = arith.constant 0 : i32
      %add3A_700 = arith.addi %mul3A_698, %add3A_699 : i32
      %dma_start3A_701 = arith.constant 0 : i32
      %dma_start3A_702 = arith.constant 0 : i32
      %dma_start3A_703 = arith.constant 0 : i32
      %dma_start3A_704 = tpu.memref_slice %arg6[%dma_start3A_701, %dma_start3A_702, %dma_start3A_703] : memref<4x200x64xf32, #tpu.memory_space<vmem>> -> memref<1x128x64xf32, #tpu.memory_space<vmem>>
      %dma_start3A_705 = tpu.memref_squeeze %dma_start3A_704 : memref<1x128x64xf32, #tpu.memory_space<vmem>> -> memref<128x64xf32, #tpu.memory_space<vmem>>
      %dma_start3A_706 = arith.constant 0 : i32
      %dma_start3A_707 = tpu.memref_slice %arg5[%add3A_700, %dma_start3A_706] : memref<128x200xi32, #tpu.memory_space<vmem>> -> memref<1x128xi32, #tpu.memory_space<vmem>>
      %dma_start3A_708 = tpu.memref_squeeze %dma_start3A_707 : memref<1x128xi32, #tpu.memory_space<vmem>> -> memref<128xi32, #tpu.memory_space<vmem>>
      %dma_start3A_709 = arith.constant 0 : i32
      %dma_start3A_710 = arith.constant 0 : i32
      %dma_start3A_711 = tpu.memref_slice %arg3[%dma_start3A_709, %dma_start3A_710] : memref<100000x64xf32, #tpu.memory_space<hbm>> -> memref<100000x64xf32, #tpu.memory_space<hbm>>
      tpu.enqueue_indirect_dma source(%dma_start3A_711 : memref<100000x64xf32, #tpu.memory_space<hbm>>) target(%dma_start3A_705 : memref<128x64xf32, #tpu.memory_space<vmem>>) offsets(%dma_start3A_708 : memref<128xi32, #tpu.memory_space<vmem>>) semaphore(%arg8 : memref<!tpu.dma_semaphore, #tpu.memory_space<semaphore_mem>>)
      %mul3A_712 = arith.constant 4 : i32
      %mul3A_713 = arith.muli %sub3A_696, %mul3A_712 : i32
      %add3A_714 = arith.constant 0 : i32
      %add3A_715 = arith.addi %mul3A_713, %add3A_714 : i32
      %dma_start3A_716 = arith.constant 0 : i32
      %dma_start3A_717 = arith.constant 128 : i32
      %dma_start3A_718 = arith.constant 0 : i32
      %dma_start3A_719 = tpu.memref_slice %arg6[%dma_start3A_716, %dma_start3A_717, %dma_start3A_718] : memref<4x200x64xf32, #tpu.memory_space<vmem>> -> memref<1x72x64xf32, #tpu.memory_space<vmem>>
      %dma_start3A_720 = tpu.memref_squeeze %dma_start3A_719 : memref<1x72x64xf32, #tpu.memory_space<vmem>> -> memref<72x64xf32, #tpu.memory_space<vmem>>
      %dma_start3A_721 = arith.constant 128 : i32
      %dma_start3A_722 = tpu.memref_slice %arg5[%add3A_715, %dma_start3A_721] : memref<128x200xi32, #tpu.memory_space<vmem>> -> memref<1x72xi32, #tpu.memory_space<vmem>>
      %dma_start3A_723 = tpu.memref_squeeze %dma_start3A_722 : memref<1x72xi32, #tpu.memory_space<vmem>> -> memref<72xi32, #tpu.memory_space<vmem>>
      %dma_start3A_724 = arith.constant 0 : i32
      %dma_start3A_725 = arith.constant 0 : i32
      %dma_start3A_726 = tpu.memref_slice %arg3[%dma_start3A_724, %dma_start3A_725] : memref<100000x64xf32, #tpu.memory_space<hbm>> -> memref<100000x64xf32, #tpu.memory_space<hbm>>
      tpu.enqueue_indirect_dma source(%dma_start3A_726 : memref<100000x64xf32, #tpu.memory_space<hbm>>) target(%dma_start3A_720 : memref<72x64xf32, #tpu.memory_space<vmem>>) offsets(%dma_start3A_723 : memref<72xi32, #tpu.memory_space<vmem>>) semaphore(%arg8 : memref<!tpu.dma_semaphore, #tpu.memory_space<semaphore_mem>>)
      %mul3A_727 = arith.constant 4 : i32
      %mul3A_728 = arith.muli %sub3A_696, %mul3A_727 : i32
      %add3A_729 = arith.constant 1 : i32
      %add3A_730 = arith.addi %mul3A_728, %add3A_729 : i32
      %dma_start3A_731 = arith.constant 1 : i32
      %dma_start3A_732 = arith.constant 0 : i32
      %dma_start3A_733 = arith.constant 0 : i32
      %dma_start3A_734 = tpu.memref_slice %arg6[%dma_start3A_731, %dma_start3A_732, %dma_start3A_733] : memref<4x200x64xf32, #tpu.memory_space<vmem>> -> memref<1x128x64xf32, #tpu.memory_space<vmem>>
      %dma_start3A_735 = tpu.memref_squeeze %dma_start3A_734 : memref<1x128x64xf32, #tpu.memory_space<vmem>> -> memref<128x64xf32, #tpu.memory_space<vmem>>
      %dma_start3A_736 = arith.constant 0 : i32
      %dma_start3A_737 = tpu.memref_slice %arg5[%add3A_730, %dma_start3A_736] : memref<128x200xi32, #tpu.memory_space<vmem>> -> memref<1x128xi32, #tpu.memory_space<vmem>>
      %dma_start3A_738 = tpu.memref_squeeze %dma_start3A_737 : memref<1x128xi32, #tpu.memory_space<vmem>> -> memref<128xi32, #tpu.memory_space<vmem>>
      %dma_start3A_739 = arith.constant 0 : i32
      %dma_start3A_740 = arith.constant 0 : i32
      %dma_start3A_741 = tpu.memref_slice %arg3[%dma_start3A_739, %dma_start3A_740] : memref<100000x64xf32, #tpu.memory_space<hbm>> -> memref<100000x64xf32, #tpu.memory_space<hbm>>
      tpu.enqueue_indirect_dma source(%dma_start3A_741 : memref<100000x64xf32, #tpu.memory_space<hbm>>) target(%dma_start3A_735 : memref<128x64xf32, #tpu.memory_space<vmem>>) offsets(%dma_start3A_738 : memref<128xi32, #tpu.memory_space<vmem>>) semaphore(%arg8 : memref<!tpu.dma_semaphore, #tpu.memory_space<semaphore_mem>>)
      %mul3A_742 = arith.constant 4 : i32
      %mul3A_743 = arith.muli %sub3A_696, %mul3A_742 : i32
      %add3A_744 = arith.constant 1 : i32
      %add3A_745 = arith.addi %mul3A_743, %add3A_744 : i32
      %dma_start3A_746 = arith.constant 1 : i32
      %dma_start3A_747 = arith.constant 128 : i32
      %dma_start3A_748 = arith.constant 0 : i32
      %dma_start3A_749 = tpu.memref_slice %arg6[%dma_start3A_746, %dma_start3A_747, %dma_start3A_748] : memref<4x200x64xf32, #tpu.memory_space<vmem>> -> memref<1x72x64xf32, #tpu.memory_space<vmem>>
      %dma_start3A_750 = tpu.memref_squeeze %dma_start3A_749 : memref<1x72x64xf32, #tpu.memory_space<vmem>> -> memref<72x64xf32, #tpu.memory_space<vmem>>
      %dma_start3A_751 = arith.constant 128 : i32
      %dma_start3A_752 = tpu.memref_slice %arg5[%add3A_745, %dma_start3A_751] : memref<128x200xi32, #tpu.memory_space<vmem>> -> memref<1x72xi32, #tpu.memory_space<vmem>>
      %dma_start3A_753 = tpu.memref_squeeze %dma_start3A_752 : memref<1x72xi32, #tpu.memory_space<vmem>> -> memref<72xi32, #tpu.memory_space<vmem>>
      %dma_start3A_754 = arith.constant 0 : i32
      %dma_start3A_755 = arith.constant 0 : i32
      %dma_start3A_756 = tpu.memref_slice %arg3[%dma_start3A_754, %dma_start3A_755] : memref<100000x64xf32, #tpu.memory_space<hbm>> -> memref<100000x64xf32, #tpu.memory_space<hbm>>
      tpu.enqueue_indirect_dma source(%dma_start3A_756 : memref<100000x64xf32, #tpu.memory_space<hbm>>) target(%dma_start3A_750 : memref<72x64xf32, #tpu.memory_space<vmem>>) offsets(%dma_start3A_753 : memref<72xi32, #tpu.memory_space<vmem>>) semaphore(%arg8 : memref<!tpu.dma_semaphore, #tpu.memory_space<semaphore_mem>>)
      %mul3A_757 = arith.constant 4 : i32
      %mul3A_758 = arith.muli %sub3A_696, %mul3A_757 : i32
      %add3A_759 = arith.constant 2 : i32
      %add3A_760 = arith.addi %mul3A_758, %add3A_759 : i32
      %dma_start3A_761 = arith.constant 2 : i32
      %dma_start3A_762 = arith.constant 0 : i32
      %dma_start3A_763 = arith.constant 0 : i32
      %dma_start3A_764 = tpu.memref_slice %arg6[%dma_start3A_761, %dma_start3A_762, %dma_start3A_763] : memref<4x200x64xf32, #tpu.memory_space<vmem>> -> memref<1x128x64xf32, #tpu.memory_space<vmem>>
      %dma_start3A_765 = tpu.memref_squeeze %dma_start3A_764 : memref<1x128x64xf32, #tpu.memory_space<vmem>> -> memref<128x64xf32, #tpu.memory_space<vmem>>
      %dma_start3A_766 = arith.constant 0 : i32
      %dma_start3A_767 = tpu.memref_slice %arg5[%add3A_760, %dma_start3A_766] : memref<128x200xi32, #tpu.memory_space<vmem>> -> memref<1x128xi32, #tpu.memory_space<vmem>>
      %dma_start3A_768 = tpu.memref_squeeze %dma_start3A_767 : memref<1x128xi32, #tpu.memory_space<vmem>> -> memref<128xi32, #tpu.memory_space<vmem>>
      %dma_start3A_769 = arith.constant 0 : i32
      %dma_start3A_770 = arith.constant 0 : i32
      %dma_start3A_771 = tpu.memref_slice %arg3[%dma_start3A_769, %dma_start3A_770] : memref<100000x64xf32, #tpu.memory_space<hbm>> -> memref<100000x64xf32, #tpu.memory_space<hbm>>
      tpu.enqueue_indirect_dma source(%dma_start3A_771 : memref<100000x64xf32, #tpu.memory_space<hbm>>) target(%dma_start3A_765 : memref<128x64xf32, #tpu.memory_space<vmem>>) offsets(%dma_start3A_768 : memref<128xi32, #tpu.memory_space<vmem>>) semaphore(%arg8 : memref<!tpu.dma_semaphore, #tpu.memory_space<semaphore_mem>>)
      %mul3A_772 = arith.constant 4 : i32
      %mul3A_773 = arith.muli %sub3A_696, %mul3A_772 : i32
      %add3A_774 = arith.constant 2 : i32
      %add3A_775 = arith.addi %mul3A_773, %add3A_774 : i32
      %dma_start3A_776 = arith.constant 2 : i32
      %dma_start3A_777 = arith.constant 128 : i32
      %dma_start3A_778 = arith.constant 0 : i32
      %dma_start3A_779 = tpu.memref_slice %arg6[%dma_start3A_776, %dma_start3A_777, %dma_start3A_778] : memref<4x200x64xf32, #tpu.memory_space<vmem>> -> memref<1x72x64xf32, #tpu.memory_space<vmem>>
      %dma_start3A_780 = tpu.memref_squeeze %dma_start3A_779 : memref<1x72x64xf32, #tpu.memory_space<vmem>> -> memref<72x64xf32, #tpu.memory_space<vmem>>
      %dma_start3A_781 = arith.constant 128 : i32
      %dma_start3A_782 = tpu.memref_slice %arg5[%add3A_775, %dma_start3A_781] : memref<128x200xi32, #tpu.memory_space<vmem>> -> memref<1x72xi32, #tpu.memory_space<vmem>>
      %dma_start3A_783 = tpu.memref_squeeze %dma_start3A_782 : memref<1x72xi32, #tpu.memory_space<vmem>> -> memref<72xi32, #tpu.memory_space<vmem>>
      %dma_start3A_784 = arith.constant 0 : i32
      %dma_start3A_785 = arith.constant 0 : i32
      %dma_start3A_786 = tpu.memref_slice %arg3[%dma_start3A_784, %dma_start3A_785] : memref<100000x64xf32, #tpu.memory_space<hbm>> -> memref<100000x64xf32, #tpu.memory_space<hbm>>
      tpu.enqueue_indirect_dma source(%dma_start3A_786 : memref<100000x64xf32, #tpu.memory_space<hbm>>) target(%dma_start3A_780 : memref<72x64xf32, #tpu.memory_space<vmem>>) offsets(%dma_start3A_783 : memref<72xi32, #tpu.memory_space<vmem>>) semaphore(%arg8 : memref<!tpu.dma_semaphore, #tpu.memory_space<semaphore_mem>>)
      %mul3A_787 = arith.constant 4 : i32
      %mul3A_788 = arith.muli %sub3A_696, %mul3A_787 : i32
      %add3A_789 = arith.constant 3 : i32
      %add3A_790 = arith.addi %mul3A_788, %add3A_789 : i32
      %dma_start3A_791 = arith.constant 3 : i32
      %dma_start3A_792 = arith.constant 0 : i32
      %dma_start3A_793 = arith.constant 0 : i32
      %dma_start3A_794 = tpu.memref_slice %arg6[%dma_start3A_791, %dma_start3A_792, %dma_start3A_793] : memref<4x200x64xf32, #tpu.memory_space<vmem>> -> memref<1x128x64xf32, #tpu.memory_space<vmem>>
      %dma_start3A_795 = tpu.memref_squeeze %dma_start3A_794 : memref<1x128x64xf32, #tpu.memory_space<vmem>> -> memref<128x64xf32, #tpu.memory_space<vmem>>
      %dma_start3A_796 = arith.constant 0 : i32
      %dma_start3A_797 = tpu.memref_slice %arg5[%add3A_790, %dma_start3A_796] : memref<128x200xi32, #tpu.memory_space<vmem>> -> memref<1x128xi32, #tpu.memory_space<vmem>>
      %dma_start3A_798 = tpu.memref_squeeze %dma_start3A_797 : memref<1x128xi32, #tpu.memory_space<vmem>> -> memref<128xi32, #tpu.memory_space<vmem>>
      %dma_start3A_799 = arith.constant 0 : i32
      %dma_start3A_800 = arith.constant 0 : i32
      %dma_start3A_801 = tpu.memref_slice %arg3[%dma_start3A_799, %dma_start3A_800] : memref<100000x64xf32, #tpu.memory_space<hbm>> -> memref<100000x64xf32, #tpu.memory_space<hbm>>
      tpu.enqueue_indirect_dma source(%dma_start3A_801 : memref<100000x64xf32, #tpu.memory_space<hbm>>) target(%dma_start3A_795 : memref<128x64xf32, #tpu.memory_space<vmem>>) offsets(%dma_start3A_798 : memref<128xi32, #tpu.memory_space<vmem>>) semaphore(%arg8 : memref<!tpu.dma_semaphore, #tpu.memory_space<semaphore_mem>>)
      %mul3A_802 = arith.constant 4 : i32
      %mul3A_803 = arith.muli %sub3A_696, %mul3A_802 : i32
      %add3A_804 = arith.constant 3 : i32
      %add3A_805 = arith.addi %mul3A_803, %add3A_804 : i32
      %dma_start3A_806 = arith.constant 3 : i32
      %dma_start3A_807 = arith.constant 128 : i32
      %dma_start3A_808 = arith.constant 0 : i32
      %dma_start3A_809 = tpu.memref_slice %arg6[%dma_start3A_806, %dma_start3A_807, %dma_start3A_808] : memref<4x200x64xf32, #tpu.memory_space<vmem>> -> memref<1x72x64xf32, #tpu.memory_space<vmem>>
      %dma_start3A_810 = tpu.memref_squeeze %dma_start3A_809 : memref<1x72x64xf32, #tpu.memory_space<vmem>> -> memref<72x64xf32, #tpu.memory_space<vmem>>
      %dma_start3A_811 = arith.constant 128 : i32
      %dma_start3A_812 = tpu.memref_slice %arg5[%add3A_805, %dma_start3A_811] : memref<128x200xi32, #tpu.memory_space<vmem>> -> memref<1x72xi32, #tpu.memory_space<vmem>>
      %dma_start3A_813 = tpu.memref_squeeze %dma_start3A_812 : memref<1x72xi32, #tpu.memory_space<vmem>> -> memref<72xi32, #tpu.memory_space<vmem>>
      %dma_start3A_814 = arith.constant 0 : i32
      %dma_start3A_815 = arith.constant 0 : i32
      %dma_start3A_816 = tpu.memref_slice %arg3[%dma_start3A_814, %dma_start3A_815] : memref<100000x64xf32, #tpu.memory_space<hbm>> -> memref<100000x64xf32, #tpu.memory_space<hbm>>
      tpu.enqueue_indirect_dma source(%dma_start3A_816 : memref<100000x64xf32, #tpu.memory_space<hbm>>) target(%dma_start3A_810 : memref<72x64xf32, #tpu.memory_space<vmem>>) offsets(%dma_start3A_813 : memref<72xi32, #tpu.memory_space<vmem>>) semaphore(%arg8 : memref<!tpu.dma_semaphore, #tpu.memory_space<semaphore_mem>>)
      %add3A_817 = arith.constant 1 : i32
      %add3A_818 = arith.addi %add3A_425, %add3A_817 : i32
      %mul3A_819 = arith.constant 4 : i32
      %mul3A_820 = arith.muli %add3A_818, %mul3A_819 : i32
      %add3A_821 = arith.constant 0 : i32
      %add3A_822 = arith.addi %mul3A_820, %add3A_821 : i32
      %dma_wait3A_823 = arith.constant 0 : i32
      %dma_wait3A_824 = arith.constant 0 : i32
      %dma_wait3A_825 = arith.constant 0 : i32
      %dma_wait3A_826 = tpu.memref_slice %arg7[%dma_wait3A_823, %dma_wait3A_824, %dma_wait3A_825] : memref<4x200x64xf32, #tpu.memory_space<vmem>> -> memref<1x128x64xf32, #tpu.memory_space<vmem>>
      %dma_wait3A_827 = tpu.memref_squeeze %dma_wait3A_826 : memref<1x128x64xf32, #tpu.memory_space<vmem>> -> memref<128x64xf32, #tpu.memory_space<vmem>>
      %dma_wait3A_828 = arith.constant 0 : i32
      %dma_wait3A_829 = tpu.memref_slice %arg5[%add3A_822, %dma_wait3A_828] : memref<128x200xi32, #tpu.memory_space<vmem>> -> memref<1x128xi32, #tpu.memory_space<vmem>>
      %dma_wait3A_830 = tpu.memref_squeeze %dma_wait3A_829 : memref<1x128xi32, #tpu.memory_space<vmem>> -> memref<128xi32, #tpu.memory_space<vmem>>
      %dma_wait3A_831 = arith.constant 0 : i32
      %dma_wait3A_832 = arith.constant 0 : i32
      %dma_wait3A_833 = tpu.memref_slice %arg3[%dma_wait3A_831, %dma_wait3A_832] : memref<100000x64xf32, #tpu.memory_space<hbm>> -> memref<100000x64xf32, #tpu.memory_space<hbm>>
      tpu.wait_indirect_dma semaphore(%arg9 : memref<!tpu.dma_semaphore, #tpu.memory_space<semaphore_mem>>) src(%dma_wait3A_833 : memref<100000x64xf32, #tpu.memory_space<hbm>>) dst(%dma_wait3A_827 : memref<128x64xf32, #tpu.memory_space<vmem>>)
      %mul3A_834 = arith.constant 4 : i32
      %mul3A_835 = arith.muli %add3A_818, %mul3A_834 : i32
      %add3A_836 = arith.constant 0 : i32
      %add3A_837 = arith.addi %mul3A_835, %add3A_836 : i32
      %dma_wait3A_838 = arith.constant 0 : i32
      %dma_wait3A_839 = arith.constant 128 : i32
      %dma_wait3A_840 = arith.constant 0 : i32
      %dma_wait3A_841 = tpu.memref_slice %arg7[%dma_wait3A_838, %dma_wait3A_839, %dma_wait3A_840] : memref<4x200x64xf32, #tpu.memory_space<vmem>> -> memref<1x72x64xf32, #tpu.memory_space<vmem>>
      %dma_wait3A_842 = tpu.memref_squeeze %dma_wait3A_841 : memref<1x72x64xf32, #tpu.memory_space<vmem>> -> memref<72x64xf32, #tpu.memory_space<vmem>>
      %dma_wait3A_843 = arith.constant 128 : i32
      %dma_wait3A_844 = tpu.memref_slice %arg5[%add3A_837, %dma_wait3A_843] : memref<128x200xi32, #tpu.memory_space<vmem>> -> memref<1x72xi32, #tpu.memory_space<vmem>>
      %dma_wait3A_845 = tpu.memref_squeeze %dma_wait3A_844 : memref<1x72xi32, #tpu.memory_space<vmem>> -> memref<72xi32, #tpu.memory_space<vmem>>
      %dma_wait3A_846 = arith.constant 0 : i32
      %dma_wait3A_847 = arith.constant 0 : i32
      %dma_wait3A_848 = tpu.memref_slice %arg3[%dma_wait3A_846, %dma_wait3A_847] : memref<100000x64xf32, #tpu.memory_space<hbm>> -> memref<100000x64xf32, #tpu.memory_space<hbm>>
      tpu.wait_indirect_dma semaphore(%arg9 : memref<!tpu.dma_semaphore, #tpu.memory_space<semaphore_mem>>) src(%dma_wait3A_848 : memref<100000x64xf32, #tpu.memory_space<hbm>>) dst(%dma_wait3A_842 : memref<72x64xf32, #tpu.memory_space<vmem>>)
      %mul3A_849 = arith.constant 4 : i32
      %mul3A_850 = arith.muli %add3A_818, %mul3A_849 : i32
      %add3A_851 = arith.constant 1 : i32
      %add3A_852 = arith.addi %mul3A_850, %add3A_851 : i32
      %dma_wait3A_853 = arith.constant 1 : i32
      %dma_wait3A_854 = arith.constant 0 : i32
      %dma_wait3A_855 = arith.constant 0 : i32
      %dma_wait3A_856 = tpu.memref_slice %arg7[%dma_wait3A_853, %dma_wait3A_854, %dma_wait3A_855] : memref<4x200x64xf32, #tpu.memory_space<vmem>> -> memref<1x128x64xf32, #tpu.memory_space<vmem>>
      %dma_wait3A_857 = tpu.memref_squeeze %dma_wait3A_856 : memref<1x128x64xf32, #tpu.memory_space<vmem>> -> memref<128x64xf32, #tpu.memory_space<vmem>>
      %dma_wait3A_858 = arith.constant 0 : i32
      %dma_wait3A_859 = tpu.memref_slice %arg5[%add3A_852, %dma_wait3A_858] : memref<128x200xi32, #tpu.memory_space<vmem>> -> memref<1x128xi32, #tpu.memory_space<vmem>>
      %dma_wait3A_860 = tpu.memref_squeeze %dma_wait3A_859 : memref<1x128xi32, #tpu.memory_space<vmem>> -> memref<128xi32, #tpu.memory_space<vmem>>
      %dma_wait3A_861 = arith.constant 0 : i32
      %dma_wait3A_862 = arith.constant 0 : i32
      %dma_wait3A_863 = tpu.memref_slice %arg3[%dma_wait3A_861, %dma_wait3A_862] : memref<100000x64xf32, #tpu.memory_space<hbm>> -> memref<100000x64xf32, #tpu.memory_space<hbm>>
      tpu.wait_indirect_dma semaphore(%arg9 : memref<!tpu.dma_semaphore, #tpu.memory_space<semaphore_mem>>) src(%dma_wait3A_863 : memref<100000x64xf32, #tpu.memory_space<hbm>>) dst(%dma_wait3A_857 : memref<128x64xf32, #tpu.memory_space<vmem>>)
      %mul3A_864 = arith.constant 4 : i32
      %mul3A_865 = arith.muli %add3A_818, %mul3A_864 : i32
      %add3A_866 = arith.constant 1 : i32
      %add3A_867 = arith.addi %mul3A_865, %add3A_866 : i32
      %dma_wait3A_868 = arith.constant 1 : i32
      %dma_wait3A_869 = arith.constant 128 : i32
      %dma_wait3A_870 = arith.constant 0 : i32
      %dma_wait3A_871 = tpu.memref_slice %arg7[%dma_wait3A_868, %dma_wait3A_869, %dma_wait3A_870] : memref<4x200x64xf32, #tpu.memory_space<vmem>> -> memref<1x72x64xf32, #tpu.memory_space<vmem>>
      %dma_wait3A_872 = tpu.memref_squeeze %dma_wait3A_871 : memref<1x72x64xf32, #tpu.memory_space<vmem>> -> memref<72x64xf32, #tpu.memory_space<vmem>>
      %dma_wait3A_873 = arith.constant 128 : i32
      %dma_wait3A_874 = tpu.memref_slice %arg5[%add3A_867, %dma_wait3A_873] : memref<128x200xi32, #tpu.memory_space<vmem>> -> memref<1x72xi32, #tpu.memory_space<vmem>>
      %dma_wait3A_875 = tpu.memref_squeeze %dma_wait3A_874 : memref<1x72xi32, #tpu.memory_space<vmem>> -> memref<72xi32, #tpu.memory_space<vmem>>
      %dma_wait3A_876 = arith.constant 0 : i32
      %dma_wait3A_877 = arith.constant 0 : i32
      %dma_wait3A_878 = tpu.memref_slice %arg3[%dma_wait3A_876, %dma_wait3A_877] : memref<100000x64xf32, #tpu.memory_space<hbm>> -> memref<100000x64xf32, #tpu.memory_space<hbm>>
      tpu.wait_indirect_dma semaphore(%arg9 : memref<!tpu.dma_semaphore, #tpu.memory_space<semaphore_mem>>) src(%dma_wait3A_878 : memref<100000x64xf32, #tpu.memory_space<hbm>>) dst(%dma_wait3A_872 : memref<72x64xf32, #tpu.memory_space<vmem>>)
      %mul3A_879 = arith.constant 4 : i32
      %mul3A_880 = arith.muli %add3A_818, %mul3A_879 : i32
      %add3A_881 = arith.constant 2 : i32
      %add3A_882 = arith.addi %mul3A_880, %add3A_881 : i32
      %dma_wait3A_883 = arith.constant 2 : i32
      %dma_wait3A_884 = arith.constant 0 : i32
      %dma_wait3A_885 = arith.constant 0 : i32
      %dma_wait3A_886 = tpu.memref_slice %arg7[%dma_wait3A_883, %dma_wait3A_884, %dma_wait3A_885] : memref<4x200x64xf32, #tpu.memory_space<vmem>> -> memref<1x128x64xf32, #tpu.memory_space<vmem>>
      %dma_wait3A_887 = tpu.memref_squeeze %dma_wait3A_886 : memref<1x128x64xf32, #tpu.memory_space<vmem>> -> memref<128x64xf32, #tpu.memory_space<vmem>>
      %dma_wait3A_888 = arith.constant 0 : i32
      %dma_wait3A_889 = tpu.memref_slice %arg5[%add3A_882, %dma_wait3A_888] : memref<128x200xi32, #tpu.memory_space<vmem>> -> memref<1x128xi32, #tpu.memory_space<vmem>>
      %dma_wait3A_890 = tpu.memref_squeeze %dma_wait3A_889 : memref<1x128xi32, #tpu.memory_space<vmem>> -> memref<128xi32, #tpu.memory_space<vmem>>
      %dma_wait3A_891 = arith.constant 0 : i32
      %dma_wait3A_892 = arith.constant 0 : i32
      %dma_wait3A_893 = tpu.memref_slice %arg3[%dma_wait3A_891, %dma_wait3A_892] : memref<100000x64xf32, #tpu.memory_space<hbm>> -> memref<100000x64xf32, #tpu.memory_space<hbm>>
      tpu.wait_indirect_dma semaphore(%arg9 : memref<!tpu.dma_semaphore, #tpu.memory_space<semaphore_mem>>) src(%dma_wait3A_893 : memref<100000x64xf32, #tpu.memory_space<hbm>>) dst(%dma_wait3A_887 : memref<128x64xf32, #tpu.memory_space<vmem>>)
      %mul3A_894 = arith.constant 4 : i32
      %mul3A_895 = arith.muli %add3A_818, %mul3A_894 : i32
      %add3A_896 = arith.constant 2 : i32
      %add3A_897 = arith.addi %mul3A_895, %add3A_896 : i32
      %dma_wait3A_898 = arith.constant 2 : i32
      %dma_wait3A_899 = arith.constant 128 : i32
      %dma_wait3A_900 = arith.constant 0 : i32
      %dma_wait3A_901 = tpu.memref_slice %arg7[%dma_wait3A_898, %dma_wait3A_899, %dma_wait3A_900] : memref<4x200x64xf32, #tpu.memory_space<vmem>> -> memref<1x72x64xf32, #tpu.memory_space<vmem>>
      %dma_wait3A_902 = tpu.memref_squeeze %dma_wait3A_901 : memref<1x72x64xf32, #tpu.memory_space<vmem>> -> memref<72x64xf32, #tpu.memory_space<vmem>>
      %dma_wait3A_903 = arith.constant 128 : i32
      %dma_wait3A_904 = tpu.memref_slice %arg5[%add3A_897, %dma_wait3A_903] : memref<128x200xi32, #tpu.memory_space<vmem>> -> memref<1x72xi32, #tpu.memory_space<vmem>>
      %dma_wait3A_905 = tpu.memref_squeeze %dma_wait3A_904 : memref<1x72xi32, #tpu.memory_space<vmem>> -> memref<72xi32, #tpu.memory_space<vmem>>
      %dma_wait3A_906 = arith.constant 0 : i32
      %dma_wait3A_907 = arith.constant 0 : i32
      %dma_wait3A_908 = tpu.memref_slice %arg3[%dma_wait3A_906, %dma_wait3A_907] : memref<100000x64xf32, #tpu.memory_space<hbm>> -> memref<100000x64xf32, #tpu.memory_space<hbm>>
      tpu.wait_indirect_dma semaphore(%arg9 : memref<!tpu.dma_semaphore, #tpu.memory_space<semaphore_mem>>) src(%dma_wait3A_908 : memref<100000x64xf32, #tpu.memory_space<hbm>>) dst(%dma_wait3A_902 : memref<72x64xf32, #tpu.memory_space<vmem>>)
      %mul3A_909 = arith.constant 4 : i32
      %mul3A_910 = arith.muli %add3A_818, %mul3A_909 : i32
      %add3A_911 = arith.constant 3 : i32
      %add3A_912 = arith.addi %mul3A_910, %add3A_911 : i32
      %dma_wait3A_913 = arith.constant 3 : i32
      %dma_wait3A_914 = arith.constant 0 : i32
      %dma_wait3A_915 = arith.constant 0 : i32
      %dma_wait3A_916 = tpu.memref_slice %arg7[%dma_wait3A_913, %dma_wait3A_914, %dma_wait3A_915] : memref<4x200x64xf32, #tpu.memory_space<vmem>> -> memref<1x128x64xf32, #tpu.memory_space<vmem>>
      %dma_wait3A_917 = tpu.memref_squeeze %dma_wait3A_916 : memref<1x128x64xf32, #tpu.memory_space<vmem>> -> memref<128x64xf32, #tpu.memory_space<vmem>>
      %dma_wait3A_918 = arith.constant 0 : i32
      %dma_wait3A_919 = tpu.memref_slice %arg5[%add3A_912, %dma_wait3A_918] : memref<128x200xi32, #tpu.memory_space<vmem>> -> memref<1x128xi32, #tpu.memory_space<vmem>>
      %dma_wait3A_920 = tpu.memref_squeeze %dma_wait3A_919 : memref<1x128xi32, #tpu.memory_space<vmem>> -> memref<128xi32, #tpu.memory_space<vmem>>
      %dma_wait3A_921 = arith.constant 0 : i32
      %dma_wait3A_922 = arith.constant 0 : i32
      %dma_wait3A_923 = tpu.memref_slice %arg3[%dma_wait3A_921, %dma_wait3A_922] : memref<100000x64xf32, #tpu.memory_space<hbm>> -> memref<100000x64xf32, #tpu.memory_space<hbm>>
      tpu.wait_indirect_dma semaphore(%arg9 : memref<!tpu.dma_semaphore, #tpu.memory_space<semaphore_mem>>) src(%dma_wait3A_923 : memref<100000x64xf32, #tpu.memory_space<hbm>>) dst(%dma_wait3A_917 : memref<128x64xf32, #tpu.memory_space<vmem>>)
      %mul3A_924 = arith.constant 4 : i32
      %mul3A_925 = arith.muli %add3A_818, %mul3A_924 : i32
      %add3A_926 = arith.constant 3 : i32
      %add3A_927 = arith.addi %mul3A_925, %add3A_926 : i32
      %dma_wait3A_928 = arith.constant 3 : i32
      %dma_wait3A_929 = arith.constant 128 : i32
      %dma_wait3A_930 = arith.constant 0 : i32
      %dma_wait3A_931 = tpu.memref_slice %arg7[%dma_wait3A_928, %dma_wait3A_929, %dma_wait3A_930] : memref<4x200x64xf32, #tpu.memory_space<vmem>> -> memref<1x72x64xf32, #tpu.memory_space<vmem>>
      %dma_wait3A_932 = tpu.memref_squeeze %dma_wait3A_931 : memref<1x72x64xf32, #tpu.memory_space<vmem>> -> memref<72x64xf32, #tpu.memory_space<vmem>>
      %dma_wait3A_933 = arith.constant 128 : i32
      %dma_wait3A_934 = tpu.memref_slice %arg5[%add3A_927, %dma_wait3A_933] : memref<128x200xi32, #tpu.memory_space<vmem>> -> memref<1x72xi32, #tpu.memory_space<vmem>>
      %dma_wait3A_935 = tpu.memref_squeeze %dma_wait3A_934 : memref<1x72xi32, #tpu.memory_space<vmem>> -> memref<72xi32, #tpu.memory_space<vmem>>
      %dma_wait3A_936 = arith.constant 0 : i32
      %dma_wait3A_937 = arith.constant 0 : i32
      %dma_wait3A_938 = tpu.memref_slice %arg3[%dma_wait3A_936, %dma_wait3A_937] : memref<100000x64xf32, #tpu.memory_space<hbm>> -> memref<100000x64xf32, #tpu.memory_space<hbm>>
      tpu.wait_indirect_dma semaphore(%arg9 : memref<!tpu.dma_semaphore, #tpu.memory_space<semaphore_mem>>) src(%dma_wait3A_938 : memref<100000x64xf32, #tpu.memory_space<hbm>>) dst(%dma_wait3A_932 : memref<72x64xf32, #tpu.memory_space<vmem>>)
      %mul3A_939 = arith.constant 4 : i32
      %mul3A_940 = arith.muli %add3A_818, %mul3A_939 : i32
      %add3A_941 = arith.addi %mul3A_2, %mul3A_940 : i32
      %dma_start3A_942 = arith.constant 0 : i32
      %dma_start3A_943 = arith.constant 0 : i32
      %dma_start3A_944 = tpu.memref_slice %arg4[%add3A_941, %dma_start3A_942, %dma_start3A_943] : memref<4096x200x128xf32, #tpu.memory_space<hbm>> -> memref<4x200x64xf32, #tpu.memory_space<hbm>>
      %dma_start3A_945 = arith.constant 0 : i32
      %dma_start3A_946 = arith.constant 0 : i32
      %dma_start3A_947 = tpu.memref_slice %arg4[%add3A_941, %dma_start3A_945, %dma_start3A_946] : memref<4096x200x128xf32, #tpu.memory_space<hbm>> -> memref<4x200x64xf32, #tpu.memory_space<hbm>>
      tpu.enqueue_dma source(%arg7 : memref<4x200x64xf32, #tpu.memory_space<vmem>>) target(%dma_start3A_947 : memref<4x200x64xf32, #tpu.memory_space<hbm>>) target_semaphore(%arg11 : memref<!tpu.dma_semaphore, #tpu.memory_space<semaphore_mem>>)
      %mul3A_948 = arith.constant 4 : i32
      %mul3A_949 = arith.muli %add3A_818, %mul3A_948 : i32
      %add3A_950 = arith.addi %mul3A_2, %mul3A_949 : i32
      %dma_wait3A_951 = arith.constant 0 : i32
      %dma_wait3A_952 = arith.constant 0 : i32
      %dma_wait3A_953 = tpu.memref_slice %arg4[%add3A_950, %dma_wait3A_951, %dma_wait3A_952] : memref<4096x200x128xf32, #tpu.memory_space<hbm>> -> memref<4x200x64xf32, #tpu.memory_space<hbm>>
      %dma_wait3A_954 = arith.constant 0 : i32
      %dma_wait3A_955 = arith.constant 0 : i32
      %dma_wait3A_956 = tpu.memref_slice %arg4[%add3A_950, %dma_wait3A_954, %dma_wait3A_955] : memref<4096x200x128xf32, #tpu.memory_space<hbm>> -> memref<4x200x64xf32, #tpu.memory_space<hbm>>
      tpu.wait_dma2 semaphore(%arg11 : memref<!tpu.dma_semaphore, #tpu.memory_space<semaphore_mem>>) src(%arg7 : memref<4x200x64xf32, #tpu.memory_space<vmem>>) dst(%dma_wait3A_956 : memref<4x200x64xf32, #tpu.memory_space<hbm>>)
    }
    %scan3A_101 = arith.constant 15 : i32
    %dma_start3A_102 = arith.constant 124 : i32
    %dma_start3A_103 = arith.constant 0 : i32
    %dma_start3A_104 = arith.constant 0 : i32
    %dma_start3A_105 = arith.constant 0 : i32
    %dma_start3A_106 = tpu.memref_slice %arg7[%dma_start3A_103, %dma_start3A_104, %dma_start3A_105] : memref<4x200x64xf32, #tpu.memory_space<vmem>> -> memref<1x128x64xf32, #tpu.memory_space<vmem>>
    %dma_start3A_107 = tpu.memref_squeeze %dma_start3A_106 : memref<1x128x64xf32, #tpu.memory_space<vmem>> -> memref<128x64xf32, #tpu.memory_space<vmem>>
    %dma_start3A_108 = arith.constant 0 : i32
    %dma_start3A_109 = tpu.memref_slice %arg5[%dma_start3A_102, %dma_start3A_108] : memref<128x200xi32, #tpu.memory_space<vmem>> -> memref<1x128xi32, #tpu.memory_space<vmem>>
    %dma_start3A_110 = tpu.memref_squeeze %dma_start3A_109 : memref<1x128xi32, #tpu.memory_space<vmem>> -> memref<128xi32, #tpu.memory_space<vmem>>
    %dma_start3A_111 = arith.constant 0 : i32
    %dma_start3A_112 = arith.constant 0 : i32
    %dma_start3A_113 = tpu.memref_slice %arg3[%dma_start3A_111, %dma_start3A_112] : memref<100000x64xf32, #tpu.memory_space<hbm>> -> memref<100000x64xf32, #tpu.memory_space<hbm>>
    tpu.enqueue_indirect_dma source(%dma_start3A_113 : memref<100000x64xf32, #tpu.memory_space<hbm>>) target(%dma_start3A_107 : memref<128x64xf32, #tpu.memory_space<vmem>>) offsets(%dma_start3A_110 : memref<128xi32, #tpu.memory_space<vmem>>) semaphore(%arg9 : memref<!tpu.dma_semaphore, #tpu.memory_space<semaphore_mem>>)
    %dma_start3A_114 = arith.constant 124 : i32
    %dma_start3A_115 = arith.constant 0 : i32
    %dma_start3A_116 = arith.constant 128 : i32
    %dma_start3A_117 = arith.constant 0 : i32
    %dma_start3A_118 = tpu.memref_slice %arg7[%dma_start3A_115, %dma_start3A_116, %dma_start3A_117] : memref<4x200x64xf32, #tpu.memory_space<vmem>> -> memref<1x72x64xf32, #tpu.memory_space<vmem>>
    %dma_start3A_119 = tpu.memref_squeeze %dma_start3A_118 : memref<1x72x64xf32, #tpu.memory_space<vmem>> -> memref<72x64xf32, #tpu.memory_space<vmem>>
    %dma_start3A_120 = arith.constant 128 : i32
    %dma_start3A_121 = tpu.memref_slice %arg5[%dma_start3A_114, %dma_start3A_120] : memref<128x200xi32, #tpu.memory_space<vmem>> -> memref<1x72xi32, #tpu.memory_space<vmem>>
    %dma_start3A_122 = tpu.memref_squeeze %dma_start3A_121 : memref<1x72xi32, #tpu.memory_space<vmem>> -> memref<72xi32, #tpu.memory_space<vmem>>
    %dma_start3A_123 = arith.constant 0 : i32
    %dma_start3A_124 = arith.constant 0 : i32
    %dma_start3A_125 = tpu.memref_slice %arg3[%dma_start3A_123, %dma_start3A_124] : memref<100000x64xf32, #tpu.memory_space<hbm>> -> memref<100000x64xf32, #tpu.memory_space<hbm>>
    tpu.enqueue_indirect_dma source(%dma_start3A_125 : memref<100000x64xf32, #tpu.memory_space<hbm>>) target(%dma_start3A_119 : memref<72x64xf32, #tpu.memory_space<vmem>>) offsets(%dma_start3A_122 : memref<72xi32, #tpu.memory_space<vmem>>) semaphore(%arg9 : memref<!tpu.dma_semaphore, #tpu.memory_space<semaphore_mem>>)
    %dma_start3A_126 = arith.constant 125 : i32
    %dma_start3A_127 = arith.constant 1 : i32
    %dma_start3A_128 = arith.constant 0 : i32
    %dma_start3A_129 = arith.constant 0 : i32
    %dma_start3A_130 = tpu.memref_slice %arg7[%dma_start3A_127, %dma_start3A_128, %dma_start3A_129] : memref<4x200x64xf32, #tpu.memory_space<vmem>> -> memref<1x128x64xf32, #tpu.memory_space<vmem>>
    %dma_start3A_131 = tpu.memref_squeeze %dma_start3A_130 : memref<1x128x64xf32, #tpu.memory_space<vmem>> -> memref<128x64xf32, #tpu.memory_space<vmem>>
    %dma_start3A_132 = arith.constant 0 : i32
    %dma_start3A_133 = tpu.memref_slice %arg5[%dma_start3A_126, %dma_start3A_132] : memref<128x200xi32, #tpu.memory_space<vmem>> -> memref<1x128xi32, #tpu.memory_space<vmem>>
    %dma_start3A_134 = tpu.memref_squeeze %dma_start3A_133 : memref<1x128xi32, #tpu.memory_space<vmem>> -> memref<128xi32, #tpu.memory_space<vmem>>
    %dma_start3A_135 = arith.constant 0 : i32
    %dma_start3A_136 = arith.constant 0 : i32
    %dma_start3A_137 = tpu.memref_slice %arg3[%dma_start3A_135, %dma_start3A_136] : memref<100000x64xf32, #tpu.memory_space<hbm>> -> memref<100000x64xf32, #tpu.memory_space<hbm>>
    tpu.enqueue_indirect_dma source(%dma_start3A_137 : memref<100000x64xf32, #tpu.memory_space<hbm>>) target(%dma_start3A_131 : memref<128x64xf32, #tpu.memory_space<vmem>>) offsets(%dma_start3A_134 : memref<128xi32, #tpu.memory_space<vmem>>) semaphore(%arg9 : memref<!tpu.dma_semaphore, #tpu.memory_space<semaphore_mem>>)
    %dma_start3A_138 = arith.constant 125 : i32
    %dma_start3A_139 = arith.constant 1 : i32
    %dma_start3A_140 = arith.constant 128 : i32
    %dma_start3A_141 = arith.constant 0 : i32
    %dma_start3A_142 = tpu.memref_slice %arg7[%dma_start3A_139, %dma_start3A_140, %dma_start3A_141] : memref<4x200x64xf32, #tpu.memory_space<vmem>> -> memref<1x72x64xf32, #tpu.memory_space<vmem>>
    %dma_start3A_143 = tpu.memref_squeeze %dma_start3A_142 : memref<1x72x64xf32, #tpu.memory_space<vmem>> -> memref<72x64xf32, #tpu.memory_space<vmem>>
    %dma_start3A_144 = arith.constant 128 : i32
    %dma_start3A_145 = tpu.memref_slice %arg5[%dma_start3A_138, %dma_start3A_144] : memref<128x200xi32, #tpu.memory_space<vmem>> -> memref<1x72xi32, #tpu.memory_space<vmem>>
    %dma_start3A_146 = tpu.memref_squeeze %dma_start3A_145 : memref<1x72xi32, #tpu.memory_space<vmem>> -> memref<72xi32, #tpu.memory_space<vmem>>
    %dma_start3A_147 = arith.constant 0 : i32
    %dma_start3A_148 = arith.constant 0 : i32
    %dma_start3A_149 = tpu.memref_slice %arg3[%dma_start3A_147, %dma_start3A_148] : memref<100000x64xf32, #tpu.memory_space<hbm>> -> memref<100000x64xf32, #tpu.memory_space<hbm>>
    tpu.enqueue_indirect_dma source(%dma_start3A_149 : memref<100000x64xf32, #tpu.memory_space<hbm>>) target(%dma_start3A_143 : memref<72x64xf32, #tpu.memory_space<vmem>>) offsets(%dma_start3A_146 : memref<72xi32, #tpu.memory_space<vmem>>) semaphore(%arg9 : memref<!tpu.dma_semaphore, #tpu.memory_space<semaphore_mem>>)
    %dma_start3A_150 = arith.constant 126 : i32
    %dma_start3A_151 = arith.constant 2 : i32
    %dma_start3A_152 = arith.constant 0 : i32
    %dma_start3A_153 = arith.constant 0 : i32
    %dma_start3A_154 = tpu.memref_slice %arg7[%dma_start3A_151, %dma_start3A_152, %dma_start3A_153] : memref<4x200x64xf32, #tpu.memory_space<vmem>> -> memref<1x128x64xf32, #tpu.memory_space<vmem>>
    %dma_start3A_155 = tpu.memref_squeeze %dma_start3A_154 : memref<1x128x64xf32, #tpu.memory_space<vmem>> -> memref<128x64xf32, #tpu.memory_space<vmem>>
    %dma_start3A_156 = arith.constant 0 : i32
    %dma_start3A_157 = tpu.memref_slice %arg5[%dma_start3A_150, %dma_start3A_156] : memref<128x200xi32, #tpu.memory_space<vmem>> -> memref<1x128xi32, #tpu.memory_space<vmem>>
    %dma_start3A_158 = tpu.memref_squeeze %dma_start3A_157 : memref<1x128xi32, #tpu.memory_space<vmem>> -> memref<128xi32, #tpu.memory_space<vmem>>
    %dma_start3A_159 = arith.constant 0 : i32
    %dma_start3A_160 = arith.constant 0 : i32
    %dma_start3A_161 = tpu.memref_slice %arg3[%dma_start3A_159, %dma_start3A_160] : memref<100000x64xf32, #tpu.memory_space<hbm>> -> memref<100000x64xf32, #tpu.memory_space<hbm>>
    tpu.enqueue_indirect_dma source(%dma_start3A_161 : memref<100000x64xf32, #tpu.memory_space<hbm>>) target(%dma_start3A_155 : memref<128x64xf32, #tpu.memory_space<vmem>>) offsets(%dma_start3A_158 : memref<128xi32, #tpu.memory_space<vmem>>) semaphore(%arg9 : memref<!tpu.dma_semaphore, #tpu.memory_space<semaphore_mem>>)
    %dma_start3A_162 = arith.constant 126 : i32
    %dma_start3A_163 = arith.constant 2 : i32
    %dma_start3A_164 = arith.constant 128 : i32
    %dma_start3A_165 = arith.constant 0 : i32
    %dma_start3A_166 = tpu.memref_slice %arg7[%dma_start3A_163, %dma_start3A_164, %dma_start3A_165] : memref<4x200x64xf32, #tpu.memory_space<vmem>> -> memref<1x72x64xf32, #tpu.memory_space<vmem>>
    %dma_start3A_167 = tpu.memref_squeeze %dma_start3A_166 : memref<1x72x64xf32, #tpu.memory_space<vmem>> -> memref<72x64xf32, #tpu.memory_space<vmem>>
    %dma_start3A_168 = arith.constant 128 : i32
    %dma_start3A_169 = tpu.memref_slice %arg5[%dma_start3A_162, %dma_start3A_168] : memref<128x200xi32, #tpu.memory_space<vmem>> -> memref<1x72xi32, #tpu.memory_space<vmem>>
    %dma_start3A_170 = tpu.memref_squeeze %dma_start3A_169 : memref<1x72xi32, #tpu.memory_space<vmem>> -> memref<72xi32, #tpu.memory_space<vmem>>
    %dma_start3A_171 = arith.constant 0 : i32
    %dma_start3A_172 = arith.constant 0 : i32
    %dma_start3A_173 = tpu.memref_slice %arg3[%dma_start3A_171, %dma_start3A_172] : memref<100000x64xf32, #tpu.memory_space<hbm>> -> memref<100000x64xf32, #tpu.memory_space<hbm>>
    tpu.enqueue_indirect_dma source(%dma_start3A_173 : memref<100000x64xf32, #tpu.memory_space<hbm>>) target(%dma_start3A_167 : memref<72x64xf32, #tpu.memory_space<vmem>>) offsets(%dma_start3A_170 : memref<72xi32, #tpu.memory_space<vmem>>) semaphore(%arg9 : memref<!tpu.dma_semaphore, #tpu.memory_space<semaphore_mem>>)
    %dma_start3A_174 = arith.constant 127 : i32
    %dma_start3A_175 = arith.constant 3 : i32
    %dma_start3A_176 = arith.constant 0 : i32
    %dma_start3A_177 = arith.constant 0 : i32
    %dma_start3A_178 = tpu.memref_slice %arg7[%dma_start3A_175, %dma_start3A_176, %dma_start3A_177] : memref<4x200x64xf32, #tpu.memory_space<vmem>> -> memref<1x128x64xf32, #tpu.memory_space<vmem>>
    %dma_start3A_179 = tpu.memref_squeeze %dma_start3A_178 : memref<1x128x64xf32, #tpu.memory_space<vmem>> -> memref<128x64xf32, #tpu.memory_space<vmem>>
    %dma_start3A_180 = arith.constant 0 : i32
    %dma_start3A_181 = tpu.memref_slice %arg5[%dma_start3A_174, %dma_start3A_180] : memref<128x200xi32, #tpu.memory_space<vmem>> -> memref<1x128xi32, #tpu.memory_space<vmem>>
    %dma_start3A_182 = tpu.memref_squeeze %dma_start3A_181 : memref<1x128xi32, #tpu.memory_space<vmem>> -> memref<128xi32, #tpu.memory_space<vmem>>
    %dma_start3A_183 = arith.constant 0 : i32
    %dma_start3A_184 = arith.constant 0 : i32
    %dma_start3A_185 = tpu.memref_slice %arg3[%dma_start3A_183, %dma_start3A_184] : memref<100000x64xf32, #tpu.memory_space<hbm>> -> memref<100000x64xf32, #tpu.memory_space<hbm>>
    tpu.enqueue_indirect_dma source(%dma_start3A_185 : memref<100000x64xf32, #tpu.memory_space<hbm>>) target(%dma_start3A_179 : memref<128x64xf32, #tpu.memory_space<vmem>>) offsets(%dma_start3A_182 : memref<128xi32, #tpu.memory_space<vmem>>) semaphore(%arg9 : memref<!tpu.dma_semaphore, #tpu.memory_space<semaphore_mem>>)
    %dma_start3A_186 = arith.constant 127 : i32
    %dma_start3A_187 = arith.constant 3 : i32
    %dma_start3A_188 = arith.constant 128 : i32
    %dma_start3A_189 = arith.constant 0 : i32
    %dma_start3A_190 = tpu.memref_slice %arg7[%dma_start3A_187, %dma_start3A_188, %dma_start3A_189] : memref<4x200x64xf32, #tpu.memory_space<vmem>> -> memref<1x72x64xf32, #tpu.memory_space<vmem>>
    %dma_start3A_191 = tpu.memref_squeeze %dma_start3A_190 : memref<1x72x64xf32, #tpu.memory_space<vmem>> -> memref<72x64xf32, #tpu.memory_space<vmem>>
    %dma_start3A_192 = arith.constant 128 : i32
    %dma_start3A_193 = tpu.memref_slice %arg5[%dma_start3A_186, %dma_start3A_192] : memref<128x200xi32, #tpu.memory_space<vmem>> -> memref<1x72xi32, #tpu.memory_space<vmem>>
    %dma_start3A_194 = tpu.memref_squeeze %dma_start3A_193 : memref<1x72xi32, #tpu.memory_space<vmem>> -> memref<72xi32, #tpu.memory_space<vmem>>
    %dma_start3A_195 = arith.constant 0 : i32
    %dma_start3A_196 = arith.constant 0 : i32
    %dma_start3A_197 = tpu.memref_slice %arg3[%dma_start3A_195, %dma_start3A_196] : memref<100000x64xf32, #tpu.memory_space<hbm>> -> memref<100000x64xf32, #tpu.memory_space<hbm>>
    tpu.enqueue_indirect_dma source(%dma_start3A_197 : memref<100000x64xf32, #tpu.memory_space<hbm>>) target(%dma_start3A_191 : memref<72x64xf32, #tpu.memory_space<vmem>>) offsets(%dma_start3A_194 : memref<72xi32, #tpu.memory_space<vmem>>) semaphore(%arg9 : memref<!tpu.dma_semaphore, #tpu.memory_space<semaphore_mem>>)
    %dma_wait3A = arith.constant 120 : i32
    %dma_wait3A_198 = arith.constant 0 : i32
    %dma_wait3A_199 = arith.constant 0 : i32
    %dma_wait3A_200 = arith.constant 0 : i32
    %dma_wait3A_201 = tpu.memref_slice %arg6[%dma_wait3A_198, %dma_wait3A_199, %dma_wait3A_200] : memref<4x200x64xf32, #tpu.memory_space<vmem>> -> memref<1x128x64xf32, #tpu.memory_space<vmem>>
    %dma_wait3A_202 = tpu.memref_squeeze %dma_wait3A_201 : memref<1x128x64xf32, #tpu.memory_space<vmem>> -> memref<128x64xf32, #tpu.memory_space<vmem>>
    %dma_wait3A_203 = arith.constant 0 : i32
    %dma_wait3A_204 = tpu.memref_slice %arg5[%dma_wait3A, %dma_wait3A_203] : memref<128x200xi32, #tpu.memory_space<vmem>> -> memref<1x128xi32, #tpu.memory_space<vmem>>
    %dma_wait3A_205 = tpu.memref_squeeze %dma_wait3A_204 : memref<1x128xi32, #tpu.memory_space<vmem>> -> memref<128xi32, #tpu.memory_space<vmem>>
    %dma_wait3A_206 = arith.constant 0 : i32
    %dma_wait3A_207 = arith.constant 0 : i32
    %dma_wait3A_208 = tpu.memref_slice %arg3[%dma_wait3A_206, %dma_wait3A_207] : memref<100000x64xf32, #tpu.memory_space<hbm>> -> memref<100000x64xf32, #tpu.memory_space<hbm>>
    tpu.wait_indirect_dma semaphore(%arg8 : memref<!tpu.dma_semaphore, #tpu.memory_space<semaphore_mem>>) src(%dma_wait3A_208 : memref<100000x64xf32, #tpu.memory_space<hbm>>) dst(%dma_wait3A_202 : memref<128x64xf32, #tpu.memory_space<vmem>>)
    %dma_wait3A_209 = arith.constant 120 : i32
    %dma_wait3A_210 = arith.constant 0 : i32
    %dma_wait3A_211 = arith.constant 128 : i32
    %dma_wait3A_212 = arith.constant 0 : i32
    %dma_wait3A_213 = tpu.memref_slice %arg6[%dma_wait3A_210, %dma_wait3A_211, %dma_wait3A_212] : memref<4x200x64xf32, #tpu.memory_space<vmem>> -> memref<1x72x64xf32, #tpu.memory_space<vmem>>
    %dma_wait3A_214 = tpu.memref_squeeze %dma_wait3A_213 : memref<1x72x64xf32, #tpu.memory_space<vmem>> -> memref<72x64xf32, #tpu.memory_space<vmem>>
    %dma_wait3A_215 = arith.constant 128 : i32
    %dma_wait3A_216 = tpu.memref_slice %arg5[%dma_wait3A_209, %dma_wait3A_215] : memref<128x200xi32, #tpu.memory_space<vmem>> -> memref<1x72xi32, #tpu.memory_space<vmem>>
    %dma_wait3A_217 = tpu.memref_squeeze %dma_wait3A_216 : memref<1x72xi32, #tpu.memory_space<vmem>> -> memref<72xi32, #tpu.memory_space<vmem>>
    %dma_wait3A_218 = arith.constant 0 : i32
    %dma_wait3A_219 = arith.constant 0 : i32
    %dma_wait3A_220 = tpu.memref_slice %arg3[%dma_wait3A_218, %dma_wait3A_219] : memref<100000x64xf32, #tpu.memory_space<hbm>> -> memref<100000x64xf32, #tpu.memory_space<hbm>>
    tpu.wait_indirect_dma semaphore(%arg8 : memref<!tpu.dma_semaphore, #tpu.memory_space<semaphore_mem>>) src(%dma_wait3A_220 : memref<100000x64xf32, #tpu.memory_space<hbm>>) dst(%dma_wait3A_214 : memref<72x64xf32, #tpu.memory_space<vmem>>)
    %dma_wait3A_221 = arith.constant 121 : i32
    %dma_wait3A_222 = arith.constant 1 : i32
    %dma_wait3A_223 = arith.constant 0 : i32
    %dma_wait3A_224 = arith.constant 0 : i32
    %dma_wait3A_225 = tpu.memref_slice %arg6[%dma_wait3A_222, %dma_wait3A_223, %dma_wait3A_224] : memref<4x200x64xf32, #tpu.memory_space<vmem>> -> memref<1x128x64xf32, #tpu.memory_space<vmem>>
    %dma_wait3A_226 = tpu.memref_squeeze %dma_wait3A_225 : memref<1x128x64xf32, #tpu.memory_space<vmem>> -> memref<128x64xf32, #tpu.memory_space<vmem>>
    %dma_wait3A_227 = arith.constant 0 : i32
    %dma_wait3A_228 = tpu.memref_slice %arg5[%dma_wait3A_221, %dma_wait3A_227] : memref<128x200xi32, #tpu.memory_space<vmem>> -> memref<1x128xi32, #tpu.memory_space<vmem>>
    %dma_wait3A_229 = tpu.memref_squeeze %dma_wait3A_228 : memref<1x128xi32, #tpu.memory_space<vmem>> -> memref<128xi32, #tpu.memory_space<vmem>>
    %dma_wait3A_230 = arith.constant 0 : i32
    %dma_wait3A_231 = arith.constant 0 : i32
    %dma_wait3A_232 = tpu.memref_slice %arg3[%dma_wait3A_230, %dma_wait3A_231] : memref<100000x64xf32, #tpu.memory_space<hbm>> -> memref<100000x64xf32, #tpu.memory_space<hbm>>
    tpu.wait_indirect_dma semaphore(%arg8 : memref<!tpu.dma_semaphore, #tpu.memory_space<semaphore_mem>>) src(%dma_wait3A_232 : memref<100000x64xf32, #tpu.memory_space<hbm>>) dst(%dma_wait3A_226 : memref<128x64xf32, #tpu.memory_space<vmem>>)
    %dma_wait3A_233 = arith.constant 121 : i32
    %dma_wait3A_234 = arith.constant 1 : i32
    %dma_wait3A_235 = arith.constant 128 : i32
    %dma_wait3A_236 = arith.constant 0 : i32
    %dma_wait3A_237 = tpu.memref_slice %arg6[%dma_wait3A_234, %dma_wait3A_235, %dma_wait3A_236] : memref<4x200x64xf32, #tpu.memory_space<vmem>> -> memref<1x72x64xf32, #tpu.memory_space<vmem>>
    %dma_wait3A_238 = tpu.memref_squeeze %dma_wait3A_237 : memref<1x72x64xf32, #tpu.memory_space<vmem>> -> memref<72x64xf32, #tpu.memory_space<vmem>>
    %dma_wait3A_239 = arith.constant 128 : i32
    %dma_wait3A_240 = tpu.memref_slice %arg5[%dma_wait3A_233, %dma_wait3A_239] : memref<128x200xi32, #tpu.memory_space<vmem>> -> memref<1x72xi32, #tpu.memory_space<vmem>>
    %dma_wait3A_241 = tpu.memref_squeeze %dma_wait3A_240 : memref<1x72xi32, #tpu.memory_space<vmem>> -> memref<72xi32, #tpu.memory_space<vmem>>
    %dma_wait3A_242 = arith.constant 0 : i32
    %dma_wait3A_243 = arith.constant 0 : i32
    %dma_wait3A_244 = tpu.memref_slice %arg3[%dma_wait3A_242, %dma_wait3A_243] : memref<100000x64xf32, #tpu.memory_space<hbm>> -> memref<100000x64xf32, #tpu.memory_space<hbm>>
    tpu.wait_indirect_dma semaphore(%arg8 : memref<!tpu.dma_semaphore, #tpu.memory_space<semaphore_mem>>) src(%dma_wait3A_244 : memref<100000x64xf32, #tpu.memory_space<hbm>>) dst(%dma_wait3A_238 : memref<72x64xf32, #tpu.memory_space<vmem>>)
    %dma_wait3A_245 = arith.constant 122 : i32
    %dma_wait3A_246 = arith.constant 2 : i32
    %dma_wait3A_247 = arith.constant 0 : i32
    %dma_wait3A_248 = arith.constant 0 : i32
    %dma_wait3A_249 = tpu.memref_slice %arg6[%dma_wait3A_246, %dma_wait3A_247, %dma_wait3A_248] : memref<4x200x64xf32, #tpu.memory_space<vmem>> -> memref<1x128x64xf32, #tpu.memory_space<vmem>>
    %dma_wait3A_250 = tpu.memref_squeeze %dma_wait3A_249 : memref<1x128x64xf32, #tpu.memory_space<vmem>> -> memref<128x64xf32, #tpu.memory_space<vmem>>
    %dma_wait3A_251 = arith.constant 0 : i32
    %dma_wait3A_252 = tpu.memref_slice %arg5[%dma_wait3A_245, %dma_wait3A_251] : memref<128x200xi32, #tpu.memory_space<vmem>> -> memref<1x128xi32, #tpu.memory_space<vmem>>
    %dma_wait3A_253 = tpu.memref_squeeze %dma_wait3A_252 : memref<1x128xi32, #tpu.memory_space<vmem>> -> memref<128xi32, #tpu.memory_space<vmem>>
    %dma_wait3A_254 = arith.constant 0 : i32
    %dma_wait3A_255 = arith.constant 0 : i32
    %dma_wait3A_256 = tpu.memref_slice %arg3[%dma_wait3A_254, %dma_wait3A_255] : memref<100000x64xf32, #tpu.memory_space<hbm>> -> memref<100000x64xf32, #tpu.memory_space<hbm>>
    tpu.wait_indirect_dma semaphore(%arg8 : memref<!tpu.dma_semaphore, #tpu.memory_space<semaphore_mem>>) src(%dma_wait3A_256 : memref<100000x64xf32, #tpu.memory_space<hbm>>) dst(%dma_wait3A_250 : memref<128x64xf32, #tpu.memory_space<vmem>>)
    %dma_wait3A_257 = arith.constant 122 : i32
    %dma_wait3A_258 = arith.constant 2 : i32
    %dma_wait3A_259 = arith.constant 128 : i32
    %dma_wait3A_260 = arith.constant 0 : i32
    %dma_wait3A_261 = tpu.memref_slice %arg6[%dma_wait3A_258, %dma_wait3A_259, %dma_wait3A_260] : memref<4x200x64xf32, #tpu.memory_space<vmem>> -> memref<1x72x64xf32, #tpu.memory_space<vmem>>
    %dma_wait3A_262 = tpu.memref_squeeze %dma_wait3A_261 : memref<1x72x64xf32, #tpu.memory_space<vmem>> -> memref<72x64xf32, #tpu.memory_space<vmem>>
    %dma_wait3A_263 = arith.constant 128 : i32
    %dma_wait3A_264 = tpu.memref_slice %arg5[%dma_wait3A_257, %dma_wait3A_263] : memref<128x200xi32, #tpu.memory_space<vmem>> -> memref<1x72xi32, #tpu.memory_space<vmem>>
    %dma_wait3A_265 = tpu.memref_squeeze %dma_wait3A_264 : memref<1x72xi32, #tpu.memory_space<vmem>> -> memref<72xi32, #tpu.memory_space<vmem>>
    %dma_wait3A_266 = arith.constant 0 : i32
    %dma_wait3A_267 = arith.constant 0 : i32
    %dma_wait3A_268 = tpu.memref_slice %arg3[%dma_wait3A_266, %dma_wait3A_267] : memref<100000x64xf32, #tpu.memory_space<hbm>> -> memref<100000x64xf32, #tpu.memory_space<hbm>>
    tpu.wait_indirect_dma semaphore(%arg8 : memref<!tpu.dma_semaphore, #tpu.memory_space<semaphore_mem>>) src(%dma_wait3A_268 : memref<100000x64xf32, #tpu.memory_space<hbm>>) dst(%dma_wait3A_262 : memref<72x64xf32, #tpu.memory_space<vmem>>)
    %dma_wait3A_269 = arith.constant 123 : i32
    %dma_wait3A_270 = arith.constant 3 : i32
    %dma_wait3A_271 = arith.constant 0 : i32
    %dma_wait3A_272 = arith.constant 0 : i32
    %dma_wait3A_273 = tpu.memref_slice %arg6[%dma_wait3A_270, %dma_wait3A_271, %dma_wait3A_272] : memref<4x200x64xf32, #tpu.memory_space<vmem>> -> memref<1x128x64xf32, #tpu.memory_space<vmem>>
    %dma_wait3A_274 = tpu.memref_squeeze %dma_wait3A_273 : memref<1x128x64xf32, #tpu.memory_space<vmem>> -> memref<128x64xf32, #tpu.memory_space<vmem>>
    %dma_wait3A_275 = arith.constant 0 : i32
    %dma_wait3A_276 = tpu.memref_slice %arg5[%dma_wait3A_269, %dma_wait3A_275] : memref<128x200xi32, #tpu.memory_space<vmem>> -> memref<1x128xi32, #tpu.memory_space<vmem>>
    %dma_wait3A_277 = tpu.memref_squeeze %dma_wait3A_276 : memref<1x128xi32, #tpu.memory_space<vmem>> -> memref<128xi32, #tpu.memory_space<vmem>>
    %dma_wait3A_278 = arith.constant 0 : i32
    %dma_wait3A_279 = arith.constant 0 : i32
    %dma_wait3A_280 = tpu.memref_slice %arg3[%dma_wait3A_278, %dma_wait3A_279] : memref<100000x64xf32, #tpu.memory_space<hbm>> -> memref<100000x64xf32, #tpu.memory_space<hbm>>
    tpu.wait_indirect_dma semaphore(%arg8 : memref<!tpu.dma_semaphore, #tpu.memory_space<semaphore_mem>>) src(%dma_wait3A_280 : memref<100000x64xf32, #tpu.memory_space<hbm>>) dst(%dma_wait3A_274 : memref<128x64xf32, #tpu.memory_space<vmem>>)
    %dma_wait3A_281 = arith.constant 123 : i32
    %dma_wait3A_282 = arith.constant 3 : i32
    %dma_wait3A_283 = arith.constant 128 : i32
    %dma_wait3A_284 = arith.constant 0 : i32
    %dma_wait3A_285 = tpu.memref_slice %arg6[%dma_wait3A_282, %dma_wait3A_283, %dma_wait3A_284] : memref<4x200x64xf32, #tpu.memory_space<vmem>> -> memref<1x72x64xf32, #tpu.memory_space<vmem>>
    %dma_wait3A_286 = tpu.memref_squeeze %dma_wait3A_285 : memref<1x72x64xf32, #tpu.memory_space<vmem>> -> memref<72x64xf32, #tpu.memory_space<vmem>>
    %dma_wait3A_287 = arith.constant 128 : i32
    %dma_wait3A_288 = tpu.memref_slice %arg5[%dma_wait3A_281, %dma_wait3A_287] : memref<128x200xi32, #tpu.memory_space<vmem>> -> memref<1x72xi32, #tpu.memory_space<vmem>>
    %dma_wait3A_289 = tpu.memref_squeeze %dma_wait3A_288 : memref<1x72xi32, #tpu.memory_space<vmem>> -> memref<72xi32, #tpu.memory_space<vmem>>
    %dma_wait3A_290 = arith.constant 0 : i32
    %dma_wait3A_291 = arith.constant 0 : i32
    %dma_wait3A_292 = tpu.memref_slice %arg3[%dma_wait3A_290, %dma_wait3A_291] : memref<100000x64xf32, #tpu.memory_space<hbm>> -> memref<100000x64xf32, #tpu.memory_space<hbm>>
    tpu.wait_indirect_dma semaphore(%arg8 : memref<!tpu.dma_semaphore, #tpu.memory_space<semaphore_mem>>) src(%dma_wait3A_292 : memref<100000x64xf32, #tpu.memory_space<hbm>>) dst(%dma_wait3A_286 : memref<72x64xf32, #tpu.memory_space<vmem>>)
    %add3A_293 = arith.constant 120 : i32
    %add3A_294 = arith.addi %mul3A_2, %add3A_293 : i32
    %dma_start3A_295 = arith.constant 0 : i32
    %dma_start3A_296 = arith.constant 0 : i32
    %dma_start3A_297 = tpu.memref_slice %arg4[%add3A_294, %dma_start3A_295, %dma_start3A_296] : memref<4096x200x128xf32, #tpu.memory_space<hbm>> -> memref<4x200x64xf32, #tpu.memory_space<hbm>>
    %dma_start3A_298 = arith.constant 0 : i32
    %dma_start3A_299 = arith.constant 0 : i32
    %dma_start3A_300 = tpu.memref_slice %arg4[%add3A_294, %dma_start3A_298, %dma_start3A_299] : memref<4096x200x128xf32, #tpu.memory_space<hbm>> -> memref<4x200x64xf32, #tpu.memory_space<hbm>>
    tpu.enqueue_dma source(%arg6 : memref<4x200x64xf32, #tpu.memory_space<vmem>>) target(%dma_start3A_300 : memref<4x200x64xf32, #tpu.memory_space<hbm>>) target_semaphore(%arg10 : memref<!tpu.dma_semaphore, #tpu.memory_space<semaphore_mem>>)
    %add3A_301 = arith.constant 120 : i32
    %add3A_302 = arith.addi %mul3A_2, %add3A_301 : i32
    %dma_wait3A_303 = arith.constant 0 : i32
    %dma_wait3A_304 = arith.constant 0 : i32
    %dma_wait3A_305 = tpu.memref_slice %arg4[%add3A_302, %dma_wait3A_303, %dma_wait3A_304] : memref<4096x200x128xf32, #tpu.memory_space<hbm>> -> memref<4x200x64xf32, #tpu.memory_space<hbm>>
    %dma_wait3A_306 = arith.constant 0 : i32
    %dma_wait3A_307 = arith.constant 0 : i32
    %dma_wait3A_308 = tpu.memref_slice %arg4[%add3A_302, %dma_wait3A_306, %dma_wait3A_307] : memref<4096x200x128xf32, #tpu.memory_space<hbm>> -> memref<4x200x64xf32, #tpu.memory_space<hbm>>
    tpu.wait_dma2 semaphore(%arg10 : memref<!tpu.dma_semaphore, #tpu.memory_space<semaphore_mem>>) src(%arg6 : memref<4x200x64xf32, #tpu.memory_space<vmem>>) dst(%dma_wait3A_308 : memref<4x200x64xf32, #tpu.memory_space<hbm>>)
    %dma_wait3A_309 = arith.constant 124 : i32
    %dma_wait3A_310 = arith.constant 0 : i32
    %dma_wait3A_311 = arith.constant 0 : i32
    %dma_wait3A_312 = arith.constant 0 : i32
    %dma_wait3A_313 = tpu.memref_slice %arg7[%dma_wait3A_310, %dma_wait3A_311, %dma_wait3A_312] : memref<4x200x64xf32, #tpu.memory_space<vmem>> -> memref<1x128x64xf32, #tpu.memory_space<vmem>>
    %dma_wait3A_314 = tpu.memref_squeeze %dma_wait3A_313 : memref<1x128x64xf32, #tpu.memory_space<vmem>> -> memref<128x64xf32, #tpu.memory_space<vmem>>
    %dma_wait3A_315 = arith.constant 0 : i32
    %dma_wait3A_316 = tpu.memref_slice %arg5[%dma_wait3A_309, %dma_wait3A_315] : memref<128x200xi32, #tpu.memory_space<vmem>> -> memref<1x128xi32, #tpu.memory_space<vmem>>
    %dma_wait3A_317 = tpu.memref_squeeze %dma_wait3A_316 : memref<1x128xi32, #tpu.memory_space<vmem>> -> memref<128xi32, #tpu.memory_space<vmem>>
    %dma_wait3A_318 = arith.constant 0 : i32
    %dma_wait3A_319 = arith.constant 0 : i32
    %dma_wait3A_320 = tpu.memref_slice %arg3[%dma_wait3A_318, %dma_wait3A_319] : memref<100000x64xf32, #tpu.memory_space<hbm>> -> memref<100000x64xf32, #tpu.memory_space<hbm>>
    tpu.wait_indirect_dma semaphore(%arg9 : memref<!tpu.dma_semaphore, #tpu.memory_space<semaphore_mem>>) src(%dma_wait3A_320 : memref<100000x64xf32, #tpu.memory_space<hbm>>) dst(%dma_wait3A_314 : memref<128x64xf32, #tpu.memory_space<vmem>>)
    %dma_wait3A_321 = arith.constant 124 : i32
    %dma_wait3A_322 = arith.constant 0 : i32
    %dma_wait3A_323 = arith.constant 128 : i32
    %dma_wait3A_324 = arith.constant 0 : i32
    %dma_wait3A_325 = tpu.memref_slice %arg7[%dma_wait3A_322, %dma_wait3A_323, %dma_wait3A_324] : memref<4x200x64xf32, #tpu.memory_space<vmem>> -> memref<1x72x64xf32, #tpu.memory_space<vmem>>
    %dma_wait3A_326 = tpu.memref_squeeze %dma_wait3A_325 : memref<1x72x64xf32, #tpu.memory_space<vmem>> -> memref<72x64xf32, #tpu.memory_space<vmem>>
    %dma_wait3A_327 = arith.constant 128 : i32
    %dma_wait3A_328 = tpu.memref_slice %arg5[%dma_wait3A_321, %dma_wait3A_327] : memref<128x200xi32, #tpu.memory_space<vmem>> -> memref<1x72xi32, #tpu.memory_space<vmem>>
    %dma_wait3A_329 = tpu.memref_squeeze %dma_wait3A_328 : memref<1x72xi32, #tpu.memory_space<vmem>> -> memref<72xi32, #tpu.memory_space<vmem>>
    %dma_wait3A_330 = arith.constant 0 : i32
    %dma_wait3A_331 = arith.constant 0 : i32
    %dma_wait3A_332 = tpu.memref_slice %arg3[%dma_wait3A_330, %dma_wait3A_331] : memref<100000x64xf32, #tpu.memory_space<hbm>> -> memref<100000x64xf32, #tpu.memory_space<hbm>>
    tpu.wait_indirect_dma semaphore(%arg9 : memref<!tpu.dma_semaphore, #tpu.memory_space<semaphore_mem>>) src(%dma_wait3A_332 : memref<100000x64xf32, #tpu.memory_space<hbm>>) dst(%dma_wait3A_326 : memref<72x64xf32, #tpu.memory_space<vmem>>)
    %dma_wait3A_333 = arith.constant 125 : i32
    %dma_wait3A_334 = arith.constant 1 : i32
    %dma_wait3A_335 = arith.constant 0 : i32
    %dma_wait3A_336 = arith.constant 0 : i32
    %dma_wait3A_337 = tpu.memref_slice %arg7[%dma_wait3A_334, %dma_wait3A_335, %dma_wait3A_336] : memref<4x200x64xf32, #tpu.memory_space<vmem>> -> memref<1x128x64xf32, #tpu.memory_space<vmem>>
    %dma_wait3A_338 = tpu.memref_squeeze %dma_wait3A_337 : memref<1x128x64xf32, #tpu.memory_space<vmem>> -> memref<128x64xf32, #tpu.memory_space<vmem>>
    %dma_wait3A_339 = arith.constant 0 : i32
    %dma_wait3A_340 = tpu.memref_slice %arg5[%dma_wait3A_333, %dma_wait3A_339] : memref<128x200xi32, #tpu.memory_space<vmem>> -> memref<1x128xi32, #tpu.memory_space<vmem>>
    %dma_wait3A_341 = tpu.memref_squeeze %dma_wait3A_340 : memref<1x128xi32, #tpu.memory_space<vmem>> -> memref<128xi32, #tpu.memory_space<vmem>>
    %dma_wait3A_342 = arith.constant 0 : i32
    %dma_wait3A_343 = arith.constant 0 : i32
    %dma_wait3A_344 = tpu.memref_slice %arg3[%dma_wait3A_342, %dma_wait3A_343] : memref<100000x64xf32, #tpu.memory_space<hbm>> -> memref<100000x64xf32, #tpu.memory_space<hbm>>
    tpu.wait_indirect_dma semaphore(%arg9 : memref<!tpu.dma_semaphore, #tpu.memory_space<semaphore_mem>>) src(%dma_wait3A_344 : memref<100000x64xf32, #tpu.memory_space<hbm>>) dst(%dma_wait3A_338 : memref<128x64xf32, #tpu.memory_space<vmem>>)
    %dma_wait3A_345 = arith.constant 125 : i32
    %dma_wait3A_346 = arith.constant 1 : i32
    %dma_wait3A_347 = arith.constant 128 : i32
    %dma_wait3A_348 = arith.constant 0 : i32
    %dma_wait3A_349 = tpu.memref_slice %arg7[%dma_wait3A_346, %dma_wait3A_347, %dma_wait3A_348] : memref<4x200x64xf32, #tpu.memory_space<vmem>> -> memref<1x72x64xf32, #tpu.memory_space<vmem>>
    %dma_wait3A_350 = tpu.memref_squeeze %dma_wait3A_349 : memref<1x72x64xf32, #tpu.memory_space<vmem>> -> memref<72x64xf32, #tpu.memory_space<vmem>>
    %dma_wait3A_351 = arith.constant 128 : i32
    %dma_wait3A_352 = tpu.memref_slice %arg5[%dma_wait3A_345, %dma_wait3A_351] : memref<128x200xi32, #tpu.memory_space<vmem>> -> memref<1x72xi32, #tpu.memory_space<vmem>>
    %dma_wait3A_353 = tpu.memref_squeeze %dma_wait3A_352 : memref<1x72xi32, #tpu.memory_space<vmem>> -> memref<72xi32, #tpu.memory_space<vmem>>
    %dma_wait3A_354 = arith.constant 0 : i32
    %dma_wait3A_355 = arith.constant 0 : i32
    %dma_wait3A_356 = tpu.memref_slice %arg3[%dma_wait3A_354, %dma_wait3A_355] : memref<100000x64xf32, #tpu.memory_space<hbm>> -> memref<100000x64xf32, #tpu.memory_space<hbm>>
    tpu.wait_indirect_dma semaphore(%arg9 : memref<!tpu.dma_semaphore, #tpu.memory_space<semaphore_mem>>) src(%dma_wait3A_356 : memref<100000x64xf32, #tpu.memory_space<hbm>>) dst(%dma_wait3A_350 : memref<72x64xf32, #tpu.memory_space<vmem>>)
    %dma_wait3A_357 = arith.constant 126 : i32
    %dma_wait3A_358 = arith.constant 2 : i32
    %dma_wait3A_359 = arith.constant 0 : i32
    %dma_wait3A_360 = arith.constant 0 : i32
    %dma_wait3A_361 = tpu.memref_slice %arg7[%dma_wait3A_358, %dma_wait3A_359, %dma_wait3A_360] : memref<4x200x64xf32, #tpu.memory_space<vmem>> -> memref<1x128x64xf32, #tpu.memory_space<vmem>>
    %dma_wait3A_362 = tpu.memref_squeeze %dma_wait3A_361 : memref<1x128x64xf32, #tpu.memory_space<vmem>> -> memref<128x64xf32, #tpu.memory_space<vmem>>
    %dma_wait3A_363 = arith.constant 0 : i32
    %dma_wait3A_364 = tpu.memref_slice %arg5[%dma_wait3A_357, %dma_wait3A_363] : memref<128x200xi32, #tpu.memory_space<vmem>> -> memref<1x128xi32, #tpu.memory_space<vmem>>
    %dma_wait3A_365 = tpu.memref_squeeze %dma_wait3A_364 : memref<1x128xi32, #tpu.memory_space<vmem>> -> memref<128xi32, #tpu.memory_space<vmem>>
    %dma_wait3A_366 = arith.constant 0 : i32
    %dma_wait3A_367 = arith.constant 0 : i32
    %dma_wait3A_368 = tpu.memref_slice %arg3[%dma_wait3A_366, %dma_wait3A_367] : memref<100000x64xf32, #tpu.memory_space<hbm>> -> memref<100000x64xf32, #tpu.memory_space<hbm>>
    tpu.wait_indirect_dma semaphore(%arg9 : memref<!tpu.dma_semaphore, #tpu.memory_space<semaphore_mem>>) src(%dma_wait3A_368 : memref<100000x64xf32, #tpu.memory_space<hbm>>) dst(%dma_wait3A_362 : memref<128x64xf32, #tpu.memory_space<vmem>>)
    %dma_wait3A_369 = arith.constant 126 : i32
    %dma_wait3A_370 = arith.constant 2 : i32
    %dma_wait3A_371 = arith.constant 128 : i32
    %dma_wait3A_372 = arith.constant 0 : i32
    %dma_wait3A_373 = tpu.memref_slice %arg7[%dma_wait3A_370, %dma_wait3A_371, %dma_wait3A_372] : memref<4x200x64xf32, #tpu.memory_space<vmem>> -> memref<1x72x64xf32, #tpu.memory_space<vmem>>
    %dma_wait3A_374 = tpu.memref_squeeze %dma_wait3A_373 : memref<1x72x64xf32, #tpu.memory_space<vmem>> -> memref<72x64xf32, #tpu.memory_space<vmem>>
    %dma_wait3A_375 = arith.constant 128 : i32
    %dma_wait3A_376 = tpu.memref_slice %arg5[%dma_wait3A_369, %dma_wait3A_375] : memref<128x200xi32, #tpu.memory_space<vmem>> -> memref<1x72xi32, #tpu.memory_space<vmem>>
    %dma_wait3A_377 = tpu.memref_squeeze %dma_wait3A_376 : memref<1x72xi32, #tpu.memory_space<vmem>> -> memref<72xi32, #tpu.memory_space<vmem>>
    %dma_wait3A_378 = arith.constant 0 : i32
    %dma_wait3A_379 = arith.constant 0 : i32
    %dma_wait3A_380 = tpu.memref_slice %arg3[%dma_wait3A_378, %dma_wait3A_379] : memref<100000x64xf32, #tpu.memory_space<hbm>> -> memref<100000x64xf32, #tpu.memory_space<hbm>>
    tpu.wait_indirect_dma semaphore(%arg9 : memref<!tpu.dma_semaphore, #tpu.memory_space<semaphore_mem>>) src(%dma_wait3A_380 : memref<100000x64xf32, #tpu.memory_space<hbm>>) dst(%dma_wait3A_374 : memref<72x64xf32, #tpu.memory_space<vmem>>)
    %dma_wait3A_381 = arith.constant 127 : i32
    %dma_wait3A_382 = arith.constant 3 : i32
    %dma_wait3A_383 = arith.constant 0 : i32
    %dma_wait3A_384 = arith.constant 0 : i32
    %dma_wait3A_385 = tpu.memref_slice %arg7[%dma_wait3A_382, %dma_wait3A_383, %dma_wait3A_384] : memref<4x200x64xf32, #tpu.memory_space<vmem>> -> memref<1x128x64xf32, #tpu.memory_space<vmem>>
    %dma_wait3A_386 = tpu.memref_squeeze %dma_wait3A_385 : memref<1x128x64xf32, #tpu.memory_space<vmem>> -> memref<128x64xf32, #tpu.memory_space<vmem>>
    %dma_wait3A_387 = arith.constant 0 : i32
    %dma_wait3A_388 = tpu.memref_slice %arg5[%dma_wait3A_381, %dma_wait3A_387] : memref<128x200xi32, #tpu.memory_space<vmem>> -> memref<1x128xi32, #tpu.memory_space<vmem>>
    %dma_wait3A_389 = tpu.memref_squeeze %dma_wait3A_388 : memref<1x128xi32, #tpu.memory_space<vmem>> -> memref<128xi32, #tpu.memory_space<vmem>>
    %dma_wait3A_390 = arith.constant 0 : i32
    %dma_wait3A_391 = arith.constant 0 : i32
    %dma_wait3A_392 = tpu.memref_slice %arg3[%dma_wait3A_390, %dma_wait3A_391] : memref<100000x64xf32, #tpu.memory_space<hbm>> -> memref<100000x64xf32, #tpu.memory_space<hbm>>
    tpu.wait_indirect_dma semaphore(%arg9 : memref<!tpu.dma_semaphore, #tpu.memory_space<semaphore_mem>>) src(%dma_wait3A_392 : memref<100000x64xf32, #tpu.memory_space<hbm>>) dst(%dma_wait3A_386 : memref<128x64xf32, #tpu.memory_space<vmem>>)
    %dma_wait3A_393 = arith.constant 127 : i32
    %dma_wait3A_394 = arith.constant 3 : i32
    %dma_wait3A_395 = arith.constant 128 : i32
    %dma_wait3A_396 = arith.constant 0 : i32
    %dma_wait3A_397 = tpu.memref_slice %arg7[%dma_wait3A_394, %dma_wait3A_395, %dma_wait3A_396] : memref<4x200x64xf32, #tpu.memory_space<vmem>> -> memref<1x72x64xf32, #tpu.memory_space<vmem>>
    %dma_wait3A_398 = tpu.memref_squeeze %dma_wait3A_397 : memref<1x72x64xf32, #tpu.memory_space<vmem>> -> memref<72x64xf32, #tpu.memory_space<vmem>>
    %dma_wait3A_399 = arith.constant 128 : i32
    %dma_wait3A_400 = tpu.memref_slice %arg5[%dma_wait3A_393, %dma_wait3A_399] : memref<128x200xi32, #tpu.memory_space<vmem>> -> memref<1x72xi32, #tpu.memory_space<vmem>>
    %dma_wait3A_401 = tpu.memref_squeeze %dma_wait3A_400 : memref<1x72xi32, #tpu.memory_space<vmem>> -> memref<72xi32, #tpu.memory_space<vmem>>
    %dma_wait3A_402 = arith.constant 0 : i32
    %dma_wait3A_403 = arith.constant 0 : i32
    %dma_wait3A_404 = tpu.memref_slice %arg3[%dma_wait3A_402, %dma_wait3A_403] : memref<100000x64xf32, #tpu.memory_space<hbm>> -> memref<100000x64xf32, #tpu.memory_space<hbm>>
    tpu.wait_indirect_dma semaphore(%arg9 : memref<!tpu.dma_semaphore, #tpu.memory_space<semaphore_mem>>) src(%dma_wait3A_404 : memref<100000x64xf32, #tpu.memory_space<hbm>>) dst(%dma_wait3A_398 : memref<72x64xf32, #tpu.memory_space<vmem>>)
    %add3A_405 = arith.constant 124 : i32
    %add3A_406 = arith.addi %mul3A_2, %add3A_405 : i32
    %dma_start3A_407 = arith.constant 0 : i32
    %dma_start3A_408 = arith.constant 0 : i32
    %dma_start3A_409 = tpu.memref_slice %arg4[%add3A_406, %dma_start3A_407, %dma_start3A_408] : memref<4096x200x128xf32, #tpu.memory_space<hbm>> -> memref<4x200x64xf32, #tpu.memory_space<hbm>>
    %dma_start3A_410 = arith.constant 0 : i32
    %dma_start3A_411 = arith.constant 0 : i32
    %dma_start3A_412 = tpu.memref_slice %arg4[%add3A_406, %dma_start3A_410, %dma_start3A_411] : memref<4096x200x128xf32, #tpu.memory_space<hbm>> -> memref<4x200x64xf32, #tpu.memory_space<hbm>>
    tpu.enqueue_dma source(%arg7 : memref<4x200x64xf32, #tpu.memory_space<vmem>>) target(%dma_start3A_412 : memref<4x200x64xf32, #tpu.memory_space<hbm>>) target_semaphore(%arg11 : memref<!tpu.dma_semaphore, #tpu.memory_space<semaphore_mem>>)
    %add3A_413 = arith.constant 124 : i32
    %add3A_414 = arith.addi %mul3A_2, %add3A_413 : i32
    %dma_wait3A_415 = arith.constant 0 : i32
    %dma_wait3A_416 = arith.constant 0 : i32
    %dma_wait3A_417 = tpu.memref_slice %arg4[%add3A_414, %dma_wait3A_415, %dma_wait3A_416] : memref<4096x200x128xf32, #tpu.memory_space<hbm>> -> memref<4x200x64xf32, #tpu.memory_space<hbm>>
    %dma_wait3A_418 = arith.constant 0 : i32
    %dma_wait3A_419 = arith.constant 0 : i32
    %dma_wait3A_420 = tpu.memref_slice %arg4[%add3A_414, %dma_wait3A_418, %dma_wait3A_419] : memref<4096x200x128xf32, #tpu.memory_space<hbm>> -> memref<4x200x64xf32, #tpu.memory_space<hbm>>
    tpu.wait_dma2 semaphore(%arg11 : memref<!tpu.dma_semaphore, #tpu.memory_space<semaphore_mem>>) src(%arg7 : memref<4x200x64xf32, #tpu.memory_space<vmem>>) dst(%dma_wait3A_420 : memref<4x200x64xf32, #tpu.memory_space<hbm>>)
    return
  }
}

</mosaic_0001>

<sc_bundles>
// kernel: kernel.3.cloned.1.call-start
scs
__scs_entry_jumppad:
0x0: {  	(pc) =	sbr.rel $0x88, $3  }
0x1: {  	(tag) =	ssettag $0x0;
	lr =	simm.s32 $0x1  }
0x2: {  	[smem:$0x3F9F] =	sst lr;
	_ =	strace $0xD0000000  }
0x3: {  	_ = 	snop  }
0x4: {  	_ = 	snop  }
0x5: {  	_ = 	snop  }
0x6: {  	_ = 	snop  }
0x7: {  	_ = 	snop  }
__scs_overlays_trampoline_lowered:
0x8: {  	[smem:$0x3FAE] =	sst s0  }
0x9: {  	[smem:$0x3FAF] =	sst s1  }
0xa: {  	[smem:$0x3FB0] =	sst s2  }
0xb: {  	[smem:$0x3FB1] =	sst s3  }
0xc: {  	[smem:$0x3FB2] =	sst s4  }
0xd: {  	[smem:$0x3FB3] =	sst s5  }
0xe: {  	[smem:$0x3FB4] =	sst s6  }
0xf: {  	[smem:$0x3FB5] =	sst s7  }
0x10: {  	[smem:$0x3FB6] =	sst s8  }
0x11: {  	[smem:$0x3FB7] =	sst s9;
	s0 =	simm.s32 @!p0 $0x0  }
0x12: {  	s1 =	sld [smem:$0x3F9D];
	s0 =	simm.s32 @p0 $0x1  }
0x13: {  	[smem:$0x3FB8] =	sst s0;
	s0 =	simm.s32 @!p1 $0x0  }
0x14: {  	s2 =	sld [smem:$0x3F9C];
	s0 =	simm.s32 @p1 $0x1  }
0x15: {  	[smem:$0x3FB9] =	sst s0;
	s0 =	simm.s32 @!p2 $0x0  }
0x16: {  	s3 =	sld [smem:$0x3FDB];
	s0 =	simm.s32 @p2 $0x1  }
0x17: {  	s4 =	simm.s32 $0x1BF5;
	[smem:$0x3FBB] =	sst s0  }
0x18: {  	s0 =	sld [smem:$0x3F9E];
	_ =	swait.ge [sflag:s4], $0x0  }
0x19: {  	s7 =	sld [smem:$0x3F9F]  }
0x1a: {  	s8 =	sadd.s32 $0xFFFFE003, lr  }
0x1b: {  	s9 =	sadd.s32 $0xFFFFFEF7, lr;
	s5 =	simm.s32 $0xFFFFFFFF;
	p2 =	slt.u32 s8, $0xFFFFF086  }
0x1c: {  	p1 =	slt.u32 s9, $0xF7A;
	s5 =	simm.s32 @!p2 $0x0  }
0x1d: {  	s5 =	simm.s32 @p1 $0x1;
	p0 =	seq.s32 s7, s2  }
0x1e: {  	s7 =	smul.u32 @!p0 $0xF7A, s2;
	p2 =	seq.s32 @!p0 s5, $0x0  }
0x1f: {  	s9 =	smul.u32 $0xF7A, s1;
	s8 =	simm.s32 @!p0 $0x1BF5;
	p2 =	por !p2, p0  }
0x20: {  	[sflag:s8] =	ssyncset.s32 @!p0 $0xFFFFF086;
	s6 =	sadd.s32 @!p0 s3, s7;
	s7 =	simm.s32 @!p0 $0x108  }
0x21: {  	s3 =	sadd.s32 s3, s9;
	s6 =	sadd.s32 @!p0 $0x88, s6;
	s7 =	simm.s32 @p2 $0x1082  }
0x22: {  	[simem:s7], [sflag:s8] =	dma.local @!p0 [hbm:s6], $0xF7A  }
0x23: {  	s9 =	sor.u32 $0xD0000000, s2;
	s6 =	simm.s32 $0x108;
	_ =	swait.ge @!p0 [sflag:s8], $0x0  }
0x24: {  	s3 =	sadd.s32 $0x88, s3;
	s6 =	simm.s32 @!p1 $0x1082;
	[sflag:s4] =	ssyncset.s32 $0xFFFFF086  }
0x25: {  	[simem:s6], [sflag:s4] =	dma.local [hbm:s3], $0xF7A  }
0x26: {  	[smem:$0x3F9F] =	sst s1;
	(tag) =	ssettag s2;
	_ =	strace s9  }
0x27: {  	s1 =	sld [smem:$0x3FAF]  }
0x28: {  	s2 =	sld [smem:$0x3FB0]  }
0x29: {  	s4 =	sld [smem:$0x3FB2]  }
0x2a: {  	p0 =	seq.s32 s5, $0x0;
	s5 =	sld [smem:$0x3FB3]  }
0x2b: {  	s6 =	sld [smem:$0x3FB4]  }
0x2c: {  	s7 =	sld [smem:$0x3FB5]  }
0x2d: {  	s3 =	simm.s32 $0x108;
	s8 =	sld [smem:$0x3FB6]  }
0x2e: {  	s3 =	simm.s32 @!p0 $0x1082;
	s9 =	sld [smem:$0x3FB7]  }
0x2f: {  	lr =	sadd.s32 s0, s3;
	s0 =	sld [smem:$0x3FAE]  }
0x30: {  	s3 =	sld [smem:$0x3FB1]  }
0x31: {  	[smem:$0x3FBA] =	sst s10  }
0x32: {  	s10 =	sld [smem:$0x3FB8];
	_ =	sdelay $0x3  }
0x33: {  	p0 =	seq.s32 s10, $0x1;
	s10 =	sld [smem:$0x3FBA];
	_ =	sdelay $0x3  }
0x34: {  	[smem:$0x3FBA] =	sst s10  }
0x35: {  	s10 =	sld [smem:$0x3FB9];
	_ =	sdelay $0x3  }
0x36: {  	p1 =	seq.s32 s10, $0x1;
	s10 =	sld [smem:$0x3FBA];
	_ =	sdelay $0x3  }
0x37: {  	[smem:$0x3FBA] =	sst s10  }
0x38: {  	s10 =	sld [smem:$0x3FBB]  }
0x39: {  	_ = 	snop;
	(pc) =	sbr.ind lr, $3  }
0x3a: {  	_ = 	snop  }
0x3b: {  	_ = 	snop  }
0x3c: {  	p2 =	seq.s32 s10, $0x1;
	s10 =	sld [smem:$0x3FBA]  }
0x3d: {  	_ =	shalt  }
0x3e: {  	_ =	shalt  }
0x3f: {  	_ =	shalt  }
0x40: {  	_ =	shalt  }
0x41: {  	_ =	shalt  }
0x42: {  	_ =	shalt  }
0x43: {  	_ =	shalt  }
0x44: {  	_ =	shalt  }
0x45: {  	_ =	shalt  }
0x46: {  	_ =	shalt  }
0x47: {  	_ =	shalt  }
0x48: {  	_ =	shalt  }
0x49: {  	_ =	shalt  }
0x4a: {  	_ =	shalt  }
0x4b: {  	_ =	shalt  }
0x4c: {  	_ =	shalt  }
0x4d: {  	_ =	shalt  }
0x4e: {  	_ =	shalt  }
0x4f: {  	_ =	shalt  }
0x50: {  	_ =	shalt  }
0x51: {  	_ =	shalt  }
0x52: {  	_ =	shalt  }
0x53: {  	_ =	shalt  }
0x54: {  	_ =	shalt  }
0x55: {  	_ =	shalt  }
0x56: {  	_ =	shalt  }
0x57: {  	_ =	shalt  }
0x58: {  	_ =	shalt  }
0x59: {  	_ =	shalt  }
0x5a: {  	_ =	shalt  }
0x5b: {  	_ =	shalt  }
0x5c: {  	_ =	shalt  }
0x5d: {  	_ =	shalt  }
0x5e: {  	_ =	shalt  }
0x5f: {  	_ =	shalt  }
0x60: {  	_ =	shalt  }
0x61: {  	_ =	shalt  }
0x62: {  	_ =	shalt  }
0x63: {  	_ =	shalt  }
0x64: {  	_ =	shalt  }
0x65: {  	_ =	shalt  }
0x66: {  	_ =	shalt  }
0x67: {  	_ =	shalt  }
0x68: {  	_ =	shalt  }
0x69: {  	_ =	shalt  }
0x6a: {  	_ =	shalt  }
0x6b: {  	_ =	shalt  }
0x6c: {  	_ =	shalt  }
0x6d: {  	_ =	shalt  }
0x6e: {  	_ =	shalt  }
0x6f: {  	_ =	shalt  }
0x70: {  	_ =	shalt  }
0x71: {  	_ =	shalt  }
0x72: {  	_ =	shalt  }
0x73: {  	_ =	shalt  }
0x74: {  	_ =	shalt  }
0x75: {  	_ =	shalt  }
0x76: {  	_ =	shalt  }
0x77: {  	_ =	shalt  }
0x78: {  	_ =	shalt  }
0x79: {  	_ =	shalt  }
0x7a: {  	_ =	shalt  }
0x7b: {  	_ =	shalt  }
0x7c: {  	_ =	shalt  }
0x7d: {  	_ =	shalt  }
0x7e: {  	_ =	shalt  }
0x7f: {  	_ =	shalt  }
0x80: {  	_ =	shalt  }
0x81: {  	_ =	shalt  }
0x82: {  	_ =	shalt  }
0x83: {  	_ =	shalt  }
0x84: {  	_ =	shalt  }
0x85: {  	_ =	shalt  }
0x86: {  	_ =	shalt  }
0x87: {  	_ =	shalt  }
.Lfunc_end0:
.L_simem_size_0:
called_computation.1_lowered:
.L_overlay_start_0:
0x88: {  	s2 =	sld [smem:$0x3FD9]  }
0x89: {  	s3 =	sld [smem:$0x3FFE];
	_ =	sdelay $0x1  }
0x8a: {  	s1 =	srdreg.scid  }
0x8b: {  	s0 =	sand.u32 $0x1, s1  }
0x8c: {  	s16 =	sshll.u32 s0, $0xA;
	s2 =	sadd.s32 s3, s2  }
0x8d: {  	s2 =	sadd.s32 s2, s16  }
0x8e: {  	[smem:$0x3FC6] =	sst s2  }
0x8f: {  	_ = 	snop  }
0x90: {  	(tm) =	ssettm $0x1  }
0x91: {  	s17 =	sld [smem:$0x3FFB];
	_ =	sdelay $0x3  }
0x92: {  	_ =	strace s17  }
0x93: {  	s2 =	sld [smem:$0x3FFC];
	_ =	sdelay $0x3  }
0x94: {  	_ =	strace s2  }
0x95: {  	s2 =	sld [smem:$0x3FFD];
	_ =	sdelay $0x3  }
0x96: {  	_ =	strace s2  }
0x97: {  	_ =	strace $0x8FFFFFFF  }
0x98: {  	s18 =	sld [smem:$0x3FDB];
	_ =	sdelay $0x1  }
0x99: {  	s19 =	simm.s32 $_scs_section_size  }
0x9a: {  	s4 =	simm.s32 $_size__tile_overlayer_lowered;
	s5 =	simm.s32 $_tile_overlayer_lowered  }
0x9b: {  	s22 =	simm.s32 $0x1BFF;
	s21 =	sshll.u32 s5, $0x1;
	s2 =	sadd.s32 s19, s18  }
0x9c: {  	s6 =	simm.s32 $0x0;
	s20 =	sshll.u32 s4, $0x1;
	s4 =	sadd.s32 s21, s2  }
0x9d: {  	[timem:s6], [sflag:s22] =	dma.local [hbm:s4], s20  }
0x9e: {  	_ =	swait.ge [sflag:s22], s20  }
0x9f: {  	s3 =	ssub.s32 $0x0, s20;
	[sflag:s22] =	ssyncset.done $0x0  }
0xa0: {  	[sflag:s22] =	ssyncadd.s32 s3;
	_ =	sdelay $0x1  }
0xa1: {  	s23 =	simm.s32 $0x1B8B  }
0xa2: {  	_ =	swait.ge [sflag:s23], $0x1  }
0xa3: {  	[sflag:s23] =	ssyncset.done $0x0  }
0xa4: {  	s25 =	simm.s32 $0x1B8E;
	s24 =	sld [smem:$0x3FFE];
	[sflag:s23] =	ssyncadd.s32 $0xFFFFFFFF  }
0xa5: {  	s26 =	simm.s32 $execute0_lowered;
	[smem:$0x3FD2] =	sst s25  }
0xa6: {  	s4 =	sshll.u32 s26, $0x1;
	_ =	strace $0x80000046;
	[dreg:$0x1] =	wrdreg $0xFFFFFFFF  }
0xa7: {  	s28 =	simm.s32 $_size_execute0_lowered;
	s2 =	sadd.s32 s2, s4;
	[dreg:$0x0] =	wrdreg $0x0  }
0xa8: {  	s4 =	sshll.u32 s28, $0x1;
	[dreg:$0x2] =	wrdreg s2  }
0xa9: {  	[dreg:$0x3] =	wrdreg s4  }
0xaa: {  	[dreg:$0x4] =	wrdreg $0xC0  }
0xab: {  	_ =	task [dreg:s6], $0x5FFFF  }
0xac: {  	[dreg:$0x1] =	wrdreg $0xFFFFFFFF  }
0xad: {  	[dreg:$0x0] =	wrdreg $0x60  }
0xae: {  	[dreg:$0x2] =	wrdreg s24  }
0xaf: {  	[dreg:$0x3] =	wrdreg $0x9  }
0xb0: {  	_ =	task.clear_ibuf [dreg:s6], $0x4FFFF;
	_ =	strace $0x90000046  }
0xb1: {  	s29 =	simm.s32 $0x9;
	_ =	strace $0x80000048  }
0xb2: {  	_ =	swait.ge [sflag:s29], $0x1  }
0xb3: {  	[sflag:s29] =	ssyncadd.s32 $0xFFFFFFFF  }
0xb4: {  	_ =	strace $0x90000048  }
0xb5: {  	_ =	sfence  }
0xb6: {  	s30 =	sld [smem:$0x0];
	_ =	sdelay $0x2  }
0xb7: {  	s31 =	sshll.u32 s1, $0xD;
	s1 =	sshrl.u32 s1, $0x2  }
0xb8: {  	s3 =	sand.u32 $0x4000, s31;
	s1 =	sadd.s32 s1, s30  }
0xb9: {  	s0 =	sor.u32 s3, s0;
	s1 =	sshll.u32 s1, $0x11  }
0xba: {  	s0 =	sor.u32 s1, s0  }
0xbb: {  	s0 =	sadd.s32 $0x8F2B, s0  }
0xbc: {  	[sflag:s0] =	ssyncadd.remote.s32 $0x1  }
0xbd: {  	_ =	sfence.sel $0xFFFF  }
0xbe: {  	[dreg:$0x0] =	wrdreg $0xFFFFFFFF;
	(pc) =	sbr.abs _section_cstart, $3  }
0xbf: {  	[dreg:$0x1] =	wrdreg $0xFFFFFFFF  }
0xc0: {  	_ =	task.clear_ibuf [dreg:s6], $0x2FFFF;
	_ =	strace $0x9FFFFFFF  }
0xc1: {  	(tm) =	ssettm $0x7FFFFFFF  }
tec
execute0_lowered:
.L_overlay_start_1:
0x0: {  	(tag) =	ssettag $0x1  }
0x1: {  	s0 =	srdreg.scid  }
0x2: {  	s7 =	stileid.u32;
	s4 =	rddreg [dreg:$0x0]  }
0x3: {  	s3 =	simm.s32 $0x0;
	s10 =	simm.s32 $0x80;
	s11 =	simm.s32 $0x6400  }
0x4: {  	s12 =	simm.s32 $0x48;
	s13 =	simm.s32 $0x8400;
	s15 =	simm.s32 $0x9600  }
0x5: {  	s17 =	simm.s32 $0xB600;
	s19 =	simm.s32 $0xC800;
	s21 =	simm.s32 $0xE800  }
0x6: {  	s23 =	simm.s32 $0xFA00;
	s28 =	simm.s32 $0x14C00;
	s29 =	simm.s32 $0x15E00  }
0x7: {  	s30 =	simm.s32 $0x17E00;
	s31 =	simm.s32 $0x19000;
	s14 =	simm.s32 $0x1E200  }
0x8: {  	s16 =	simm.s32 $0x1;
	s18 =	simm.s32 $0x40;
	s0 =	sand.u32 $0x1, s0  }
0x9: {  	s20 =	simm.s32 $0x3;
	s1 =	sshll.u32 s7, $0x8;
	s2 =	sshll.u32 s0, $0x7  }
0xa: {  	s22 =	simm.s32 $0x2;
	s5 =	ssub.s32 $0x2, s0;
	s1 =	sor.u32 s2, s1  }
0xb: {  	[smem:$0x7FF] =	sst s3;
	s6 =	sshrl.u32 s5, $0x1;
	s2 =	smul.u32 $0x19, s1  }
0xc: {  	s3 =	sadd.s32 $0x19800, s4;
	s1 =	smul.u32 $0x6400, s1;
	s5 =	ssub.s32 s5, s6  }
0xd: {  	s7 =	smul.u32 $0xC8000, s7;
	_ =	strace $0x80000047;
	s26 =	smax.u32 s5, $0x1  }
0xe: {  	s2 =	sadd.s32 s2, s4;
	s4 =	sadd.s32 $0xDCE00, s4;
	s1 =	sshrl.u32 s1, $0x3  }
0xf: {  	[dreg:$0x5] =	wrdreg s26;
	s1 =	sadd.s32 s4, s1;
	s2 =	sadd.s32 $0x800, s2  }
0x10: {  	s0 =	smul.u32 $0x64000, s0;
	[dreg:$0x2] =	wrdreg s2;
	s24 =	sadd.s32 $0x5DC00, s1  }
0x11: {  	s25 =	sadd.s32 s7, s4;
	s1 =	sadd.s32 $0x60E00, s1;
	[dreg:$0x3] =	wrdreg s24  }
0x12: {  	s26 =	simm.s32 $0x12C00;
	s0 =	sadd.s32 s0, s25;
	[dreg:$0x4] =	wrdreg s1  }
0x13: {  	s25 =	simm.s32 $0x11A00;
	s2 =	simm.s32 $0x0;
	[dreg:$0x6] =	wrdreg s0  }
0x14: {  	s1 =	simm.s32 $0x1B000;
	s0 =	simm.s32 $0x1C200;
	s24 =	simm.s32 $0x4  }
.LBB2_1:
0x15: {  	s4 =	simm.s32 $0x0;
	s5 =	rddreg [dreg:$0x2];
	s9 =	simm.s32 $0x5  }
0x16: {  	[tilespmem:s4], [sflag:$0x5] =	stream.linear.gather [hbm4b:s5+s4], $0x6400, $0x38;
	[tilespmem:$0x1F400] =	vst v63  }
0x17: {  	_ =	swait.ge [sflag:s9], $0x6400  }
0x18: {  	[sflag:s9] =	ssyncset.done $0x0  }
0x19: {  	[sflag:s9] =	ssyncadd.s32 $0xFFFF9C00  }
0x1a: {  	[tilespmem:s11], [sflag:$0x1] =	stream.indirect.gather [hbm4b:s3+s10], $0x40, s4, s10, $0xb8;
	[tilespmem:$0x1F400] =	vst v63  }
0x1b: {  	_ = 	snop  }
0x1c: {  	[tilespmem:s13], [sflag:$0x1] =	stream.indirect.gather [hbm4b:s3+s12], $0x40, s10, s12, $0xb8;
	[tilespmem:$0x1F400] =	vst v63  }
0x1d: {  	s5 =	simm.s32 $0xC8  }
0x1e: {  	[tilespmem:s15], [sflag:$0x1] =	stream.indirect.gather [hbm4b:s3+s10], $0x40, s5, s10, $0xb8;
	[tilespmem:$0x1F400] =	vst v63  }
0x1f: {  	s6 =	simm.s32 $0x148  }
0x20: {  	[tilespmem:s17], [sflag:$0x1] =	stream.indirect.gather [hbm4b:s3+s12], $0x40, s6, s12, $0xb8;
	[tilespmem:$0x1F400] =	vst v63  }
0x21: {  	s7 =	simm.s32 $0x190  }
0x22: {  	[tilespmem:s19], [sflag:$0x1] =	stream.indirect.gather [hbm4b:s3+s10], $0x40, s7, s10, $0xb8;
	[tilespmem:$0x1F400] =	vst v63  }
0x23: {  	s8 =	simm.s32 $0x210  }
0x24: {  	[tilespmem:s21], [sflag:$0x1] =	stream.indirect.gather [hbm4b:s3+s12], $0x40, s8, s12, $0xb8;
	[tilespmem:$0x1F400] =	vst v63  }
0x25: {  	s9 =	simm.s32 $0x258  }
0x26: {  	[tilespmem:s23], [sflag:$0x1] =	stream.indirect.gather [hbm4b:s3+s10], $0x40, s9, s10, $0xb8;
	[tilespmem:$0x1F400] =	vst v63  }
0x27: {  	s5 =	simm.s32 $0x2D8  }
0x28: {  	[tilespmem:s25], [sflag:$0x1] =	stream.indirect.gather [hbm4b:s3+s12], $0x40, s5, s12, $0xb8;
	[tilespmem:$0x1F400] =	vst v63  }
0x29: {  	s6 =	simm.s32 $0x320  }
0x2a: {  	[tilespmem:s26], [sflag:$0x2] =	stream.indirect.gather [hbm4b:s3+s10], $0x40, s6, s10, $0xb8;
	[tilespmem:$0x1F400] =	vst v63  }
0x2b: {  	s7 =	simm.s32 $0x3A0  }
0x2c: {  	[tilespmem:s28], [sflag:$0x2] =	stream.indirect.gather [hbm4b:s3+s12], $0x40, s7, s12, $0xb8;
	[tilespmem:$0x1F400] =	vst v63  }
0x2d: {  	s8 =	simm.s32 $0x3E8  }
0x2e: {  	[tilespmem:s29], [sflag:$0x2] =	stream.indirect.gather [hbm4b:s3+s10], $0x40, s8, s10, $0xb8;
	[tilespmem:$0x1F400] =	vst v63  }
0x2f: {  	s9 =	simm.s32 $0x468  }
0x30: {  	[tilespmem:s30], [sflag:$0x2] =	stream.indirect.gather [hbm4b:s3+s12], $0x40, s9, s12, $0xb8;
	[tilespmem:$0x1F400] =	vst v63  }
0x31: {  	s5 =	simm.s32 $0x4B0  }
0x32: {  	[tilespmem:s31], [sflag:$0x2] =	stream.indirect.gather [hbm4b:s3+s10], $0x40, s5, s10, $0xb8;
	[tilespmem:$0x1F400] =	vst v63  }
0x33: {  	s6 =	simm.s32 $0x530  }
0x34: {  	[tilespmem:s1], [sflag:$0x2] =	stream.indirect.gather [hbm4b:s3+s12], $0x40, s6, s12, $0xb8;
	[tilespmem:$0x1F400] =	vst v63  }
0x35: {  	s7 =	simm.s32 $0x578  }
0x36: {  	[tilespmem:s0], [sflag:$0x2] =	stream.indirect.gather [hbm4b:s3+s10], $0x40, s7, s10, $0xb8;
	[tilespmem:$0x1F400] =	vst v63  }
0x37: {  	s8 =	simm.s32 $0x5F8  }
0x38: {  	[tilespmem:s14], [sflag:$0x2] =	stream.indirect.gather [hbm4b:s3+s12], $0x40, s8, s12, $0xb8;
	[tilespmem:$0x1F400] =	vst v63  }
0x39: {  	_ =	swait.ge [sflag:s16], $0x2000  }
0x3a: {  	[sflag:s16] =	ssyncset.done $0x0  }
0x3b: {  	[sflag:s16] =	ssyncadd.s32 $0xFFFFE000  }
0x3c: {  	_ =	swait.ge [sflag:s16], $0x1200  }
0x3d: {  	[sflag:s16] =	ssyncset.done $0x0  }
0x3e: {  	[sflag:s16] =	ssyncadd.s32 $0xFFFFEE00  }
0x3f: {  	_ =	swait.ge [sflag:s16], $0x2000  }
0x40: {  	[sflag:s16] =	ssyncset.done $0x0  }
0x41: {  	[sflag:s16] =	ssyncadd.s32 $0xFFFFE000  }
0x42: {  	_ =	swait.ge [sflag:s16], $0x1200  }
0x43: {  	[sflag:s16] =	ssyncset.done $0x0  }
0x44: {  	[sflag:s16] =	ssyncadd.s32 $0xFFFFEE00  }
0x45: {  	_ =	swait.ge [sflag:s16], $0x2000  }
0x46: {  	[sflag:s16] =	ssyncset.done $0x0  }
0x47: {  	[sflag:s16] =	ssyncadd.s32 $0xFFFFE000  }
0x48: {  	_ =	swait.ge [sflag:s16], $0x1200  }
0x49: {  	[sflag:s16] =	ssyncset.done $0x0  }
0x4a: {  	[sflag:s16] =	ssyncadd.s32 $0xFFFFEE00  }
0x4b: {  	_ =	swait.ge [sflag:s16], $0x2000  }
0x4c: {  	[sflag:s16] =	ssyncset.done $0x0  }
0x4d: {  	[sflag:s16] =	ssyncadd.s32 $0xFFFFE000  }
0x4e: {  	_ =	swait.ge [sflag:s16], $0x1200  }
0x4f: {  	[sflag:s16] =	ssyncset.done $0x0  }
0x50: {  	s7 =	rddreg [dreg:$0x6];
	[sflag:s16] =	ssyncadd.s32 $0xFFFFEE00  }
0x51: {  	[hbm4b:s7+s18] =	stream.strided.scatter [tilespmem:s11], [sflag:$0x3], $0xC800, s10, s18, $0x38;
	[tilespmem:$0x1F400] =	vst v63  }
0x52: {  	_ =	swait.ge [sflag:s20], $0xC800  }
0x53: {  	[sflag:s20] =	ssyncset.done $0x0  }
0x54: {  	s9 =	simm.s32 $0x640;
	[sflag:s20] =	ssyncadd.s32 $0xFFFF3800  }
0x55: {  	[tilespmem:s11], [sflag:$0x1] =	stream.indirect.gather [hbm4b:s3+s10], $0x40, s9, s10, $0xb8;
	[tilespmem:$0x1F400] =	vst v63  }
0x56: {  	s5 =	simm.s32 $0x6C0  }
0x57: {  	[tilespmem:s13], [sflag:$0x1] =	stream.indirect.gather [hbm4b:s3+s12], $0x40, s5, s12, $0xb8;
	[tilespmem:$0x1F400] =	vst v63  }
0x58: {  	s6 =	simm.s32 $0x708  }
0x59: {  	[tilespmem:s15], [sflag:$0x1] =	stream.indirect.gather [hbm4b:s3+s10], $0x40, s6, s10, $0xb8;
	[tilespmem:$0x1F400] =	vst v63  }
0x5a: {  	s8 =	simm.s32 $0x788  }
0x5b: {  	[tilespmem:s17], [sflag:$0x1] =	stream.indirect.gather [hbm4b:s3+s12], $0x40, s8, s12, $0xb8;
	[tilespmem:$0x1F400] =	vst v63  }
0x5c: {  	s9 =	simm.s32 $0x7D0  }
0x5d: {  	[tilespmem:s19], [sflag:$0x1] =	stream.indirect.gather [hbm4b:s3+s10], $0x40, s9, s10, $0xb8;
	[tilespmem:$0x1F400] =	vst v63  }
0x5e: {  	s5 =	simm.s32 $0x850  }
0x5f: {  	[tilespmem:s21], [sflag:$0x1] =	stream.indirect.gather [hbm4b:s3+s12], $0x40, s5, s12, $0xb8;
	[tilespmem:$0x1F400] =	vst v63  }
0x60: {  	s6 =	simm.s32 $0x898  }
0x61: {  	[tilespmem:s23], [sflag:$0x1] =	stream.indirect.gather [hbm4b:s3+s10], $0x40, s6, s10, $0xb8;
	[tilespmem:$0x1F400] =	vst v63  }
0x62: {  	s8 =	simm.s32 $0x918  }
0x63: {  	[tilespmem:s25], [sflag:$0x1] =	stream.indirect.gather [hbm4b:s3+s12], $0x40, s8, s12, $0xb8;
	[tilespmem:$0x1F400] =	vst v63  }
0x64: {  	_ =	swait.ge [sflag:s22], $0x2000  }
0x65: {  	[sflag:s22] =	ssyncset.done $0x0  }
0x66: {  	[sflag:s22] =	ssyncadd.s32 $0xFFFFE000  }
0x67: {  	_ =	swait.ge [sflag:s22], $0x1200  }
0x68: {  	[sflag:s22] =	ssyncset.done $0x0  }
0x69: {  	[sflag:s22] =	ssyncadd.s32 $0xFFFFEE00  }
0x6a: {  	_ =	swait.ge [sflag:s22], $0x2000  }
0x6b: {  	[sflag:s22] =	ssyncset.done $0x0  }
0x6c: {  	[sflag:s22] =	ssyncadd.s32 $0xFFFFE000  }
0x6d: {  	_ =	swait.ge [sflag:s22], $0x1200  }
0x6e: {  	[sflag:s22] =	ssyncset.done $0x0  }
0x6f: {  	[sflag:s22] =	ssyncadd.s32 $0xFFFFEE00  }
0x70: {  	_ =	swait.ge [sflag:s22], $0x2000  }
0x71: {  	[sflag:s22] =	ssyncset.done $0x0  }
0x72: {  	[sflag:s22] =	ssyncadd.s32 $0xFFFFE000  }
0x73: {  	_ =	swait.ge [sflag:s22], $0x1200  }
0x74: {  	[sflag:s22] =	ssyncset.done $0x0  }
0x75: {  	[sflag:s22] =	ssyncadd.s32 $0xFFFFEE00  }
0x76: {  	_ =	swait.ge [sflag:s22], $0x2000  }
0x77: {  	[sflag:s22] =	ssyncset.done $0x0  }
0x78: {  	[sflag:s22] =	ssyncadd.s32 $0xFFFFE000  }
0x79: {  	_ =	swait.ge [sflag:s22], $0x1200  }
0x7a: {  	[sflag:s22] =	ssyncset.done $0x0  }
0x7b: {  	s9 =	sadd.s32 $0x3200, s7;
	[sflag:s22] =	ssyncadd.s32 $0xFFFFEE00  }
0x7c: {  	[hbm4b:s9+s18] =	stream.strided.scatter [tilespmem:s26], [sflag:$0x4], $0xC800, s10, s18, $0x38;
	[tilespmem:$0x1F400] =	vst v63  }
0x7d: {  	s4 =	sadd.s32 $0x6400, s7;
	_ =	swait.ge [sflag:s24], $0xC800  }
0x7e: {  	s5 =	simm.s32 $0x640;
	s6 =	simm.s32 $0x3200;
	[sflag:s24] =	ssyncset.done $0x0  }
.LBB2_2:
0x7f: {  	s8 =	sadd.s32 $0x320, s5  }
0x80: {  	[sflag:s24] =	ssyncadd.s32 $0xFFFF3800;
	s7 =	smov.u32 s6;
	s9 =	sadd.s32 $0x1900, s6  }
0x81: {  	[tilespmem:s26], [sflag:$0x2] =	stream.indirect.gather [hbm4b:s3+s10], $0x40, s8, s10, $0xb8;
	[tilespmem:$0x1F400] =	vst v63  }
0x82: {  	p0 =	sne.s32 s6, $0x15E00;
	s6 =	sadd.s32 $0x3A0, s5  }
0x83: {  	[tilespmem:s28], [sflag:$0x2] =	stream.indirect.gather [hbm4b:s3+s12], $0x40, s6, s12, $0xb8;
	[tilespmem:$0x1F400] =	vst v63  }
0x84: {  	s6 =	sadd.s32 $0x3E8, s5  }
0x85: {  	[tilespmem:s29], [sflag:$0x2] =	stream.indirect.gather [hbm4b:s3+s10], $0x40, s6, s10, $0xb8;
	[tilespmem:$0x1F400] =	vst v63  }
0x86: {  	s6 =	sadd.s32 $0x468, s5  }
0x87: {  	[tilespmem:s30], [sflag:$0x2] =	stream.indirect.gather [hbm4b:s3+s12], $0x40, s6, s12, $0xb8;
	[tilespmem:$0x1F400] =	vst v63  }
0x88: {  	s6 =	sadd.s32 $0x4B0, s5  }
0x89: {  	[tilespmem:s31], [sflag:$0x2] =	stream.indirect.gather [hbm4b:s3+s10], $0x40, s6, s10, $0xb8;
	[tilespmem:$0x1F400] =	vst v63  }
0x8a: {  	s6 =	sadd.s32 $0x530, s5  }
0x8b: {  	[tilespmem:s1], [sflag:$0x2] =	stream.indirect.gather [hbm4b:s3+s12], $0x40, s6, s12, $0xb8;
	[tilespmem:$0x1F400] =	vst v63  }
0x8c: {  	s6 =	sadd.s32 $0x578, s5  }
0x8d: {  	[tilespmem:s0], [sflag:$0x2] =	stream.indirect.gather [hbm4b:s3+s10], $0x40, s6, s10, $0xb8;
	[tilespmem:$0x1F400] =	vst v63  }
0x8e: {  	s6 =	sadd.s32 $0x5F8, s5  }
0x8f: {  	[tilespmem:s14], [sflag:$0x2] =	stream.indirect.gather [hbm4b:s3+s12], $0x40, s6, s12, $0xb8;
	[tilespmem:$0x1F400] =	vst v63  }
0x90: {  	_ =	swait.ge [sflag:s16], $0x2000  }
0x91: {  	[sflag:s16] =	ssyncset.done $0x0  }
0x92: {  	[sflag:s16] =	ssyncadd.s32 $0xFFFFE000  }
0x93: {  	_ =	swait.ge [sflag:s16], $0x1200  }
0x94: {  	[sflag:s16] =	ssyncset.done $0x0  }
0x95: {  	[sflag:s16] =	ssyncadd.s32 $0xFFFFEE00  }
0x96: {  	_ =	swait.ge [sflag:s16], $0x2000  }
0x97: {  	[sflag:s16] =	ssyncset.done $0x0  }
0x98: {  	[sflag:s16] =	ssyncadd.s32 $0xFFFFE000  }
0x99: {  	_ =	swait.ge [sflag:s16], $0x1200  }
0x9a: {  	[sflag:s16] =	ssyncset.done $0x0  }
0x9b: {  	[sflag:s16] =	ssyncadd.s32 $0xFFFFEE00  }
0x9c: {  	_ =	swait.ge [sflag:s16], $0x2000  }
0x9d: {  	[sflag:s16] =	ssyncset.done $0x0  }
0x9e: {  	[sflag:s16] =	ssyncadd.s32 $0xFFFFE000  }
0x9f: {  	_ =	swait.ge [sflag:s16], $0x1200  }
0xa0: {  	[sflag:s16] =	ssyncset.done $0x0  }
0xa1: {  	[sflag:s16] =	ssyncadd.s32 $0xFFFFEE00  }
0xa2: {  	_ =	swait.ge [sflag:s16], $0x2000  }
0xa3: {  	[sflag:s16] =	ssyncset.done $0x0  }
0xa4: {  	[sflag:s16] =	ssyncadd.s32 $0xFFFFE000  }
0xa5: {  	_ =	swait.ge [sflag:s16], $0x1200  }
0xa6: {  	[sflag:s16] =	ssyncset.done $0x0  }
0xa7: {  	[sflag:s16] =	ssyncadd.s32 $0xFFFFEE00  }
0xa8: {  	[hbm4b:s4+s18] =	stream.strided.scatter [tilespmem:s11], [sflag:$0x3], $0xC800, s10, s18, $0x38;
	[tilespmem:$0x1F400] =	vst v63  }
0xa9: {  	_ =	swait.ge [sflag:s20], $0xC800  }
0xaa: {  	[sflag:s20] =	ssyncset.done $0x0  }
0xab: {  	s6 =	sadd.s32 $0x640, s5;
	[sflag:s20] =	ssyncadd.s32 $0xFFFF3800  }
0xac: {  	[tilespmem:s11], [sflag:$0x1] =	stream.indirect.gather [hbm4b:s3+s10], $0x40, s6, s10, $0xb8;
	[tilespmem:$0x1F400] =	vst v63  }
0xad: {  	s6 =	sadd.s32 $0x6C0, s5  }
0xae: {  	[tilespmem:s13], [sflag:$0x1] =	stream.indirect.gather [hbm4b:s3+s12], $0x40, s6, s12, $0xb8;
	[tilespmem:$0x1F400] =	vst v63  }
0xaf: {  	s6 =	sadd.s32 $0x708, s5  }
0xb0: {  	[tilespmem:s15], [sflag:$0x1] =	stream.indirect.gather [hbm4b:s3+s10], $0x40, s6, s10, $0xb8;
	[tilespmem:$0x1F400] =	vst v63  }
0xb1: {  	s6 =	sadd.s32 $0x788, s5  }
0xb2: {  	[tilespmem:s17], [sflag:$0x1] =	stream.indirect.gather [hbm4b:s3+s12], $0x40, s6, s12, $0xb8;
	[tilespmem:$0x1F400] =	vst v63  }
0xb3: {  	s6 =	sadd.s32 $0x7D0, s5  }
0xb4: {  	[tilespmem:s19], [sflag:$0x1] =	stream.indirect.gather [hbm4b:s3+s10], $0x40, s6, s10, $0xb8;
	[tilespmem:$0x1F400] =	vst v63  }
0xb5: {  	s6 =	sadd.s32 $0x850, s5  }
0xb6: {  	[tilespmem:s21], [sflag:$0x1] =	stream.indirect.gather [hbm4b:s3+s12], $0x40, s6, s12, $0xb8;
	[tilespmem:$0x1F400] =	vst v63  }
0xb7: {  	s6 =	sadd.s32 $0x898, s5  }
0xb8: {  	[tilespmem:s23], [sflag:$0x1] =	stream.indirect.gather [hbm4b:s3+s10], $0x40, s6, s10, $0xb8;
	[tilespmem:$0x1F400] =	vst v63  }
0xb9: {  	s5 =	sadd.s32 $0x918, s5  }
0xba: {  	[tilespmem:s25], [sflag:$0x1] =	stream.indirect.gather [hbm4b:s3+s12], $0x40, s5, s12, $0xb8;
	[tilespmem:$0x1F400] =	vst v63  }
0xbb: {  	_ =	swait.ge [sflag:s22], $0x2000  }
0xbc: {  	[sflag:s22] =	ssyncset.done $0x0  }
0xbd: {  	[sflag:s22] =	ssyncadd.s32 $0xFFFFE000  }
0xbe: {  	_ =	swait.ge [sflag:s22], $0x1200  }
0xbf: {  	[sflag:s22] =	ssyncset.done $0x0  }
0xc0: {  	[sflag:s22] =	ssyncadd.s32 $0xFFFFEE00  }
0xc1: {  	_ =	swait.ge [sflag:s22], $0x2000  }
0xc2: {  	[sflag:s22] =	ssyncset.done $0x0  }
0xc3: {  	[sflag:s22] =	ssyncadd.s32 $0xFFFFE000  }
0xc4: {  	_ =	swait.ge [sflag:s22], $0x1200  }
0xc5: {  	[sflag:s22] =	ssyncset.done $0x0  }
0xc6: {  	[sflag:s22] =	ssyncadd.s32 $0xFFFFEE00  }
0xc7: {  	_ =	swait.ge [sflag:s22], $0x2000  }
0xc8: {  	[sflag:s22] =	ssyncset.done $0x0  }
0xc9: {  	[sflag:s22] =	ssyncadd.s32 $0xFFFFE000  }
0xca: {  	_ =	swait.ge [sflag:s22], $0x1200  }
0xcb: {  	[sflag:s22] =	ssyncset.done $0x0  }
0xcc: {  	[sflag:s22] =	ssyncadd.s32 $0xFFFFEE00  }
0xcd: {  	_ =	swait.ge [sflag:s22], $0x2000  }
0xce: {  	[sflag:s22] =	ssyncset.done $0x0  }
0xcf: {  	[sflag:s22] =	ssyncadd.s32 $0xFFFFE000  }
0xd0: {  	_ =	swait.ge [sflag:s22], $0x1200  }
.Ltmp0:
0xd1: {  	[sflag:s22] =	ssyncset.done $0x0;
	(pc) =	sbr.rel @p0 .LBB2_2-.Ltmp0, $4  }
0xd2: {  	s5 =	sadd.s32 $0x3200, s4;
	[sflag:s22] =	ssyncadd.s32 $0xFFFFEE00  }
0xd3: {  	[hbm4b:s5+s18] =	stream.strided.scatter [tilespmem:s26], [sflag:$0x4], $0xC800, s10, s18, $0x38;
	[tilespmem:$0x1F400] =	vst v63  }
0xd4: {  	s6 =	smov.u32 s9;
	_ =	swait.ge [sflag:s24], $0xC800  }
0xd5: {  	s4 =	sadd.s32 $0x6400, s4;
	s5 =	sshra.s32 s7, $0x2;
	[sflag:s24] =	ssyncset.done $0x0  }
0xd6: {  	s6 =	sadd.s32 $0x320, s5;
	[sflag:s24] =	ssyncadd.s32 $0xFFFF3800  }
0xd7: {  	[tilespmem:s26], [sflag:$0x2] =	stream.indirect.gather [hbm4b:s3+s10], $0x40, s6, s10, $0xb8;
	[tilespmem:$0x1F400] =	vst v63  }
0xd8: {  	s8 =	sadd.s32 $0x3A0, s5  }
0xd9: {  	[tilespmem:s28], [sflag:$0x2] =	stream.indirect.gather [hbm4b:s3+s12], $0x40, s8, s12, $0xb8;
	[tilespmem:$0x1F400] =	vst v63  }
0xda: {  	s9 =	sadd.s32 $0x3E8, s5  }
0xdb: {  	[tilespmem:s29], [sflag:$0x2] =	stream.indirect.gather [hbm4b:s3+s10], $0x40, s9, s10, $0xb8;
	[tilespmem:$0x1F400] =	vst v63  }
0xdc: {  	s7 =	sadd.s32 $0x468, s5  }
0xdd: {  	[tilespmem:s30], [sflag:$0x2] =	stream.indirect.gather [hbm4b:s3+s12], $0x40, s7, s12, $0xb8;
	[tilespmem:$0x1F400] =	vst v63  }
0xde: {  	s8 =	sadd.s32 $0x4B0, s5  }
0xdf: {  	[tilespmem:s31], [sflag:$0x2] =	stream.indirect.gather [hbm4b:s3+s10], $0x40, s8, s10, $0xb8;
	[tilespmem:$0x1F400] =	vst v63  }
0xe0: {  	s9 =	sadd.s32 $0x530, s5  }
0xe1: {  	[tilespmem:s1], [sflag:$0x2] =	stream.indirect.gather [hbm4b:s3+s12], $0x40, s9, s12, $0xb8;
	[tilespmem:$0x1F400] =	vst v63  }
0xe2: {  	s7 =	sadd.s32 $0x578, s5  }
0xe3: {  	[tilespmem:s0], [sflag:$0x2] =	stream.indirect.gather [hbm4b:s3+s10], $0x40, s7, s10, $0xb8;
	[tilespmem:$0x1F400] =	vst v63  }
0xe4: {  	s8 =	sadd.s32 $0x5F8, s5  }
0xe5: {  	[tilespmem:s14], [sflag:$0x2] =	stream.indirect.gather [hbm4b:s3+s12], $0x40, s8, s12, $0xb8;
	[tilespmem:$0x1F400] =	vst v63  }
0xe6: {  	_ =	swait.ge [sflag:s16], $0x2000  }
0xe7: {  	[sflag:s16] =	ssyncset.done $0x0  }
0xe8: {  	[sflag:s16] =	ssyncadd.s32 $0xFFFFE000  }
0xe9: {  	_ =	swait.ge [sflag:s16], $0x1200  }
0xea: {  	[sflag:s16] =	ssyncset.done $0x0  }
0xeb: {  	[sflag:s16] =	ssyncadd.s32 $0xFFFFEE00  }
0xec: {  	_ =	swait.ge [sflag:s16], $0x2000  }
0xed: {  	[sflag:s16] =	ssyncset.done $0x0  }
0xee: {  	[sflag:s16] =	ssyncadd.s32 $0xFFFFE000  }
0xef: {  	_ =	swait.ge [sflag:s16], $0x1200  }
0xf0: {  	[sflag:s16] =	ssyncset.done $0x0  }
0xf1: {  	[sflag:s16] =	ssyncadd.s32 $0xFFFFEE00  }
0xf2: {  	_ =	swait.ge [sflag:s16], $0x2000  }
0xf3: {  	[sflag:s16] =	ssyncset.done $0x0  }
0xf4: {  	[sflag:s16] =	ssyncadd.s32 $0xFFFFE000  }
0xf5: {  	_ =	swait.ge [sflag:s16], $0x1200  }
0xf6: {  	[sflag:s16] =	ssyncset.done $0x0  }
0xf7: {  	[sflag:s16] =	ssyncadd.s32 $0xFFFFEE00  }
0xf8: {  	_ =	swait.ge [sflag:s16], $0x2000  }
0xf9: {  	[sflag:s16] =	ssyncset.done $0x0  }
0xfa: {  	[sflag:s16] =	ssyncadd.s32 $0xFFFFE000  }
0xfb: {  	_ =	swait.ge [sflag:s16], $0x1200  }
0xfc: {  	[sflag:s16] =	ssyncset.done $0x0  }
0xfd: {  	[sflag:s16] =	ssyncadd.s32 $0xFFFFEE00  }
0xfe: {  	[hbm4b:s4+s18] =	stream.strided.scatter [tilespmem:s11], [sflag:$0x3], $0xC800, s10, s18, $0x38;
	[tilespmem:$0x1F400] =	vst v63  }
0xff: {  	_ =	swait.ge [sflag:s20], $0xC800  }
0x100: {  	[sflag:s20] =	ssyncset.done $0x0  }
0x101: {  	s9 =	sadd.s32 $0x640, s5;
	[sflag:s20] =	ssyncadd.s32 $0xFFFF3800  }
0x102: {  	[tilespmem:s11], [sflag:$0x1] =	stream.indirect.gather [hbm4b:s3+s10], $0x40, s9, s10, $0xb8;
	[tilespmem:$0x1F400] =	vst v63  }
0x103: {  	s7 =	sadd.s32 $0x6C0, s5  }
0x104: {  	[tilespmem:s13], [sflag:$0x1] =	stream.indirect.gather [hbm4b:s3+s12], $0x40, s7, s12, $0xb8;
	[tilespmem:$0x1F400] =	vst v63  }
0x105: {  	s8 =	sadd.s32 $0x708, s5  }
0x106: {  	[tilespmem:s15], [sflag:$0x1] =	stream.indirect.gather [hbm4b:s3+s10], $0x40, s8, s10, $0xb8;
	[tilespmem:$0x1F400] =	vst v63  }
0x107: {  	s9 =	sadd.s32 $0x788, s5  }
0x108: {  	[tilespmem:s17], [sflag:$0x1] =	stream.indirect.gather [hbm4b:s3+s12], $0x40, s9, s12, $0xb8;
	[tilespmem:$0x1F400] =	vst v63  }
0x109: {  	s7 =	sadd.s32 $0x7D0, s5  }
0x10a: {  	[tilespmem:s19], [sflag:$0x1] =	stream.indirect.gather [hbm4b:s3+s10], $0x40, s7, s10, $0xb8;
	[tilespmem:$0x1F400] =	vst v63  }
0x10b: {  	s8 =	sadd.s32 $0x850, s5  }
0x10c: {  	[tilespmem:s21], [sflag:$0x1] =	stream.indirect.gather [hbm4b:s3+s12], $0x40, s8, s12, $0xb8;
	[tilespmem:$0x1F400] =	vst v63  }
0x10d: {  	s9 =	sadd.s32 $0x898, s5  }
0x10e: {  	[tilespmem:s23], [sflag:$0x1] =	stream.indirect.gather [hbm4b:s3+s10], $0x40, s9, s10, $0xb8;
	[tilespmem:$0x1F400] =	vst v63  }
0x10f: {  	s7 =	sadd.s32 $0x918, s5  }
0x110: {  	[tilespmem:s25], [sflag:$0x1] =	stream.indirect.gather [hbm4b:s3+s12], $0x40, s7, s12, $0xb8;
	[tilespmem:$0x1F400] =	vst v63  }
0x111: {  	_ =	swait.ge [sflag:s22], $0x2000  }
0x112: {  	[sflag:s22] =	ssyncset.done $0x0  }
0x113: {  	[sflag:s22] =	ssyncadd.s32 $0xFFFFE000  }
0x114: {  	_ =	swait.ge [sflag:s22], $0x1200  }
0x115: {  	[sflag:s22] =	ssyncset.done $0x0  }
0x116: {  	[sflag:s22] =	ssyncadd.s32 $0xFFFFEE00  }
0x117: {  	_ =	swait.ge [sflag:s22], $0x2000  }
0x118: {  	[sflag:s22] =	ssyncset.done $0x0  }
0x119: {  	[sflag:s22] =	ssyncadd.s32 $0xFFFFE000  }
0x11a: {  	_ =	swait.ge [sflag:s22], $0x1200  }
0x11b: {  	[sflag:s22] =	ssyncset.done $0x0  }
0x11c: {  	[sflag:s22] =	ssyncadd.s32 $0xFFFFEE00  }
0x11d: {  	_ =	swait.ge [sflag:s22], $0x2000  }
0x11e: {  	[sflag:s22] =	ssyncset.done $0x0  }
0x11f: {  	[sflag:s22] =	ssyncadd.s32 $0xFFFFE000  }
0x120: {  	_ =	swait.ge [sflag:s22], $0x1200  }
0x121: {  	[sflag:s22] =	ssyncset.done $0x0  }
0x122: {  	[sflag:s22] =	ssyncadd.s32 $0xFFFFEE00  }
0x123: {  	_ =	swait.ge [sflag:s22], $0x2000  }
0x124: {  	[sflag:s22] =	ssyncset.done $0x0  }
0x125: {  	[sflag:s22] =	ssyncadd.s32 $0xFFFFE000  }
0x126: {  	_ =	swait.ge [sflag:s22], $0x1200  }
0x127: {  	[sflag:s22] =	ssyncset.done $0x0  }
0x128: {  	s8 =	sadd.s32 $0x3200, s4;
	[sflag:s22] =	ssyncadd.s32 $0xFFFFEE00  }
0x129: {  	[hbm4b:s8+s18] =	stream.strided.scatter [tilespmem:s26], [sflag:$0x4], $0xC800, s10, s18, $0x38;
	[tilespmem:$0x1F400] =	vst v63  }
0x12a: {  	_ =	swait.ge [sflag:s24], $0xC800  }
0x12b: {  	[sflag:s24] =	ssyncset.done $0x0  }
0x12c: {  	s9 =	simm.s32 $0x60E0;
	[sflag:s24] =	ssyncadd.s32 $0xFFFF3800  }
0x12d: {  	[tilespmem:s26], [sflag:$0x2] =	stream.indirect.gather [hbm4b:s3+s10], $0x40, s9, s10, $0xb8;
	[tilespmem:$0x1F400] =	vst v63  }
0x12e: {  	s5 =	simm.s32 $0x6160  }
0x12f: {  	[tilespmem:s28], [sflag:$0x2] =	stream.indirect.gather [hbm4b:s3+s12], $0x40, s5, s12, $0xb8;
	[tilespmem:$0x1F400] =	vst v63  }
0x130: {  	s6 =	simm.s32 $0x61A8  }
0x131: {  	[tilespmem:s29], [sflag:$0x2] =	stream.indirect.gather [hbm4b:s3+s10], $0x40, s6, s10, $0xb8;
	[tilespmem:$0x1F400] =	vst v63  }
0x132: {  	s7 =	simm.s32 $0x6228  }
0x133: {  	[tilespmem:s30], [sflag:$0x2] =	stream.indirect.gather [hbm4b:s3+s12], $0x40, s7, s12, $0xb8;
	[tilespmem:$0x1F400] =	vst v63  }
0x134: {  	s8 =	simm.s32 $0x6270  }
0x135: {  	[tilespmem:s31], [sflag:$0x2] =	stream.indirect.gather [hbm4b:s3+s10], $0x40, s8, s10, $0xb8;
	[tilespmem:$0x1F400] =	vst v63  }
0x136: {  	s9 =	simm.s32 $0x62F0  }
0x137: {  	[tilespmem:s1], [sflag:$0x2] =	stream.indirect.gather [hbm4b:s3+s12], $0x40, s9, s12, $0xb8;
	[tilespmem:$0x1F400] =	vst v63  }
0x138: {  	s5 =	simm.s32 $0x6338  }
0x139: {  	[tilespmem:s0], [sflag:$0x2] =	stream.indirect.gather [hbm4b:s3+s10], $0x40, s5, s10, $0xb8;
	[tilespmem:$0x1F400] =	vst v63  }
0x13a: {  	s6 =	simm.s32 $0x63B8  }
0x13b: {  	[tilespmem:s14], [sflag:$0x2] =	stream.indirect.gather [hbm4b:s3+s12], $0x40, s6, s12, $0xb8;
	[tilespmem:$0x1F400] =	vst v63  }
0x13c: {  	_ =	swait.ge [sflag:s16], $0x2000  }
0x13d: {  	[sflag:s16] =	ssyncset.done $0x0  }
0x13e: {  	[sflag:s16] =	ssyncadd.s32 $0xFFFFE000  }
0x13f: {  	_ =	swait.ge [sflag:s16], $0x1200  }
0x140: {  	[sflag:s16] =	ssyncset.done $0x0  }
0x141: {  	[sflag:s16] =	ssyncadd.s32 $0xFFFFEE00  }
0x142: {  	_ =	swait.ge [sflag:s16], $0x2000  }
0x143: {  	[sflag:s16] =	ssyncset.done $0x0  }
0x144: {  	[sflag:s16] =	ssyncadd.s32 $0xFFFFE000  }
0x145: {  	_ =	swait.ge [sflag:s16], $0x1200  }
0x146: {  	[sflag:s16] =	ssyncset.done $0x0  }
0x147: {  	[sflag:s16] =	ssyncadd.s32 $0xFFFFEE00  }
0x148: {  	_ =	swait.ge [sflag:s16], $0x2000  }
0x149: {  	[sflag:s16] =	ssyncset.done $0x0  }
0x14a: {  	[sflag:s16] =	ssyncadd.s32 $0xFFFFE000  }
0x14b: {  	_ =	swait.ge [sflag:s16], $0x1200  }
0x14c: {  	[sflag:s16] =	ssyncset.done $0x0  }
0x14d: {  	[sflag:s16] =	ssyncadd.s32 $0xFFFFEE00  }
0x14e: {  	_ =	swait.ge [sflag:s16], $0x2000  }
0x14f: {  	[sflag:s16] =	ssyncset.done $0x0  }
0x150: {  	[sflag:s16] =	ssyncadd.s32 $0xFFFFE000  }
0x151: {  	_ =	swait.ge [sflag:s16], $0x1200  }
0x152: {  	[sflag:s16] =	ssyncset.done $0x0  }
0x153: {  	s7 =	rddreg [dreg:$0x3];
	[sflag:s16] =	ssyncadd.s32 $0xFFFFEE00  }
0x154: {  	[hbm4b:s7+s18] =	stream.strided.scatter [tilespmem:s11], [sflag:$0x3], $0xC800, s10, s18, $0x38;
	[tilespmem:$0x1F400] =	vst v63  }
0x155: {  	_ =	swait.ge [sflag:s20], $0xC800  }
0x156: {  	[sflag:s20] =	ssyncset.done $0x0  }
0x157: {  	[sflag:s20] =	ssyncadd.s32 $0xFFFF3800  }
0x158: {  	_ =	swait.ge [sflag:s22], $0x2000  }
0x159: {  	[sflag:s22] =	ssyncset.done $0x0  }
0x15a: {  	[sflag:s22] =	ssyncadd.s32 $0xFFFFE000  }
0x15b: {  	_ =	swait.ge [sflag:s22], $0x1200  }
0x15c: {  	[sflag:s22] =	ssyncset.done $0x0  }
0x15d: {  	[sflag:s22] =	ssyncadd.s32 $0xFFFFEE00  }
0x15e: {  	_ =	swait.ge [sflag:s22], $0x2000  }
0x15f: {  	[sflag:s22] =	ssyncset.done $0x0  }
0x160: {  	[sflag:s22] =	ssyncadd.s32 $0xFFFFE000  }
0x161: {  	_ =	swait.ge [sflag:s22], $0x1200  }
0x162: {  	[sflag:s22] =	ssyncset.done $0x0  }
0x163: {  	[sflag:s22] =	ssyncadd.s32 $0xFFFFEE00  }
0x164: {  	_ =	swait.ge [sflag:s22], $0x2000  }
0x165: {  	[sflag:s22] =	ssyncset.done $0x0  }
0x166: {  	[sflag:s22] =	ssyncadd.s32 $0xFFFFE000  }
0x167: {  	_ =	swait.ge [sflag:s22], $0x1200  }
0x168: {  	[sflag:s22] =	ssyncset.done $0x0  }
0x169: {  	[sflag:s22] =	ssyncadd.s32 $0xFFFFEE00  }
0x16a: {  	_ =	swait.ge [sflag:s22], $0x2000  }
0x16b: {  	[sflag:s22] =	ssyncset.done $0x0  }
0x16c: {  	[sflag:s22] =	ssyncadd.s32 $0xFFFFE000  }
0x16d: {  	_ =	swait.ge [sflag:s22], $0x1200  }
0x16e: {  	[sflag:s22] =	ssyncset.done $0x0  }
0x16f: {  	s8 =	rddreg [dreg:$0x4];
	[sflag:s22] =	ssyncadd.s32 $0xFFFFEE00  }
0x170: {  	[hbm4b:s8+s18] =	stream.strided.scatter [tilespmem:s26], [sflag:$0x4], $0xC800, s10, s18, $0x38;
	[tilespmem:$0x1F400] =	vst v63  }
0x171: {  	_ =	swait.ge [sflag:s24], $0xC800  }
0x172: {  	s2 =	sadd.s32 $0x1, s2;
	s9 =	rddreg [dreg:$0x5]  }
0x173: {  	p0 =	sne.s32 s2, s9  }
.Ltmp1:
0x174: {  	_ = 	snop;
	(pc) =	sbr.rel @p0 .LBB2_1-.Ltmp1, $3  }
0x175: {  	_ =	sdelay $0x1  }
0x176: {  	[sflag:s24] =	ssyncset.done $0x0  }
0x177: {  	[sflag:s24] =	ssyncadd.s32 $0xFFFF3800  }
0x178: {  	_ =	sfence.sel $0x180000  }
0x179: {  	[bflag:$0x0] =	sbarrier.arrive $0xFFFF  }
0x17a: {  	_ =	strace $0x90000047  }
0x17b: {  	s0 =	stileid.u32;
	[bflag:$0x2] =	sbarrier.arrive $0xFFFF  }
0x17c: {  	p0 =	sne.s32 s0, $0x0;
	s0 =	rddreg [dreg:$0x1]  }
0x17d: {  	s0 =	sadd.s32 @!p0 $0x100000, s0  }
0x17e: {  	[sflag:s0] =	ssyncadd.tile.s32 @!p0 $0x1;
	_ =	shalt  }
.Lfunc_end2:
_tile_overlayer_lowered:
.L_overlay_start_2:
0x17f: {  	(tag) =	ssettag $0x2  }
0x180: {  	s0 =	rddreg [dreg:$0x0];
	s2 =	stileid.u32  }
0x181: {  	s1 =	rddreg [dreg:$0x1];
	p0 =	sne.s32 s2, $0x0  }
0x182: {  	s3 =	rddreg [dreg:$0x2];
	[bflag:$0x3] =	sbarrier.arrive $0xFFFF;
	s2 =	simm.s32 @!p0 $0x1C05  }
0x183: {  	[timem:s3], [sflag:s2] =	dma.local @!p0 [hbm:s0], s1  }
0x184: {  	s0 =	simm.s32 @!p0 $0x5  }
0x185: {  	_ =	swait.ge @!p0 [sflag:s0], s1  }
0x186: {  	s1 =	ssub.s32 @!p0 $0x0, s1;
	[sflag:s0] =	ssyncset.done @!p0 $0x0  }
0x187: {  	[sflag:s0] =	ssyncadd.s32 @!p0 s1  }
0x188: {  	[bflag:$0x3] =	sbarrier.arrive $0xFFFF  }
0x189: {  	_ =	shalt  }

// kernel: sparse-core-data-format-call.cloned.1.call-start
scs
called_computation_lowered:
.L_overlay_start_0:
0x0: {  	s2 =	sld [smem:$0x3FD9]  }
0x1: {  	s3 =	sld [smem:$0x3FFE];
	_ =	sdelay $0x1  }
0x2: {  	s1 =	srdreg.scid  }
0x3: {  	s0 =	sand.u32 $0x1, s1  }
0x4: {  	s18 =	sshll.u32 s0, $0xA;
	s2 =	sadd.s32 s3, s2  }
0x5: {  	s2 =	sadd.s32 s2, s18  }
0x6: {  	[smem:$0x3FC6] =	sst s2  }
0x7: {  	_ = 	snop  }
0x8: {  	s2 =	sld [smem:$0x3FD0];
	(tm) =	ssettm $0x1  }
0x9: {  	s19 =	sld [smem:$0x3FFB];
	_ =	sdelay $0x3  }
0xa: {  	_ =	strace s19  }
0xb: {  	s3 =	sld [smem:$0x3FFC];
	_ =	sdelay $0x3  }
0xc: {  	_ =	strace s3  }
0xd: {  	s3 =	sld [smem:$0x3FFD];
	_ =	sdelay $0x3  }
0xe: {  	_ =	strace s3  }
0xf: {  	_ =	strace $0x8FFFFFFF  }
0x10: {  	s20 =	sld [smem:$0x3FDB];
	_ =	sdelay $0x1  }
0x11: {  	s4 =	simm.s32 $_scs_section_size  }
0x12: {  	s5 =	simm.s32 $_size__tile_overlayer_lowered;
	s6 =	simm.s32 $_tile_overlayer_lowered  }
0x13: {  	s23 =	simm.s32 $0x1BFF;
	s22 =	sshll.u32 s6, $0x1;
	s3 =	sadd.s32 s4, s20  }
0x14: {  	s7 =	simm.s32 $0x0;
	s21 =	sshll.u32 s5, $0x1;
	s5 =	sadd.s32 s22, s3  }
0x15: {  	[timem:s7], [sflag:s23] =	dma.local [hbm:s5], s21  }
0x16: {  	_ =	swait.ge [sflag:s23], s21  }
0x17: {  	s4 =	ssub.s32 $0x0, s21;
	[sflag:s23] =	ssyncset.done $0x0  }
0x18: {  	[sflag:s23] =	ssyncadd.s32 s4;
	_ =	sdelay $0x1  }
0x19: {  	s24 =	simm.s32 $0x1B8B  }
0x1a: {  	_ =	swait.ge [sflag:s24], $0x1  }
0x1b: {  	[sflag:s24] =	ssyncset.done $0x0  }
0x1c: {  	s26 =	simm.s32 $0x1B8E;
	s25 =	sld [smem:$0x3FFE];
	[sflag:s24] =	ssyncadd.s32 $0xFFFFFFFF  }
0x1d: {  	s27 =	simm.s32 $execute0_lowered;
	[smem:$0x3FD2] =	sst s26  }
0x1e: {  	s5 =	sshll.u32 s27, $0x1;
	_ =	strace $0x80000049;
	[dreg:$0x1] =	wrdreg $0xFFFFFFFF  }
0x1f: {  	s28 =	simm.s32 $_size_execute0_lowered;
	s3 =	sadd.s32 s3, s5;
	[dreg:$0x0] =	wrdreg $0x0  }
0x20: {  	s5 =	sshll.u32 s28, $0x1;
	[dreg:$0x2] =	wrdreg s3  }
0x21: {  	[dreg:$0x3] =	wrdreg s5  }
0x22: {  	[dreg:$0x4] =	wrdreg $0xC0  }
0x23: {  	_ =	task [dreg:s7], $0x5FFFF  }
0x24: {  	[dreg:$0x1] =	wrdreg $0xFFFFFFFF  }
0x25: {  	[dreg:$0x0] =	wrdreg $0x60  }
0x26: {  	[dreg:$0x2] =	wrdreg s25  }
0x27: {  	[dreg:$0x3] =	wrdreg s2  }
0x28: {  	[dreg:$0x4] =	wrdreg $0x9  }
0x29: {  	_ =	task.clear_ibuf [dreg:s7], $0x5FFFF;
	_ =	strace $0x90000049  }
0x2a: {  	s29 =	simm.s32 $0x9;
	_ =	strace $0x8000004B  }
0x2b: {  	_ =	swait.ge [sflag:s29], $0x1  }
0x2c: {  	[sflag:s29] =	ssyncadd.s32 $0xFFFFFFFF  }
0x2d: {  	_ =	strace $0x9000004B  }
0x2e: {  	_ =	sfence  }
0x2f: {  	s30 =	sld [smem:$0x0];
	_ =	sdelay $0x2  }
0x30: {  	s31 =	sshll.u32 s1, $0xD;
	s1 =	sshrl.u32 s1, $0x2  }
0x31: {  	s3 =	sand.u32 $0x4000, s31;
	s1 =	sadd.s32 s1, s30  }
0x32: {  	s0 =	sor.u32 s3, s0;
	s1 =	sshll.u32 s1, $0x11  }
0x33: {  	s0 =	sor.u32 s1, s0  }
0x34: {  	s0 =	sadd.s32 $0x8F2B, s0  }
0x35: {  	[sflag:s0] =	ssyncadd.remote.s32 $0x1  }
0x36: {  	_ =	sfence.sel $0xFFFF  }
0x37: {  	[dreg:$0x0] =	wrdreg $0xFFFFFFFF;
	(pc) =	sbr.abs _section_cstart, $3  }
0x38: {  	[dreg:$0x1] =	wrdreg $0xFFFFFFFF  }
0x39: {  	_ =	task.clear_ibuf [dreg:s7], $0x2FFFF;
	_ =	strace $0x9FFFFFFF  }
0x3a: {  	(tm) =	ssettm $0x7FFFFFFF  }
0x3b: {  	_ =	shalt  }
tec
execute0_lowered:
.L_overlay_start_1:
0x0: {  	(tag) =	ssettag $0x1  }
0x1: {  	s0 =	srdreg.scid  }
0x2: {  	s1 =	sshll.u32 s0, $0x4  }
0x3: {  	s0 =	stileid.u32;
	s1 =	sand.u32 $0x10, s1  }
0x4: {  	s1 =	sor.u32 s0, s1  }
0x5: {  	s6 =	rddreg [dreg:$0x0];
	s4 =	simm.s32 $0x1;
	s2 =	sshll.u32 s1, $0x7  }
0x6: {  	s7 =	simm.s32 $0x2;
	s12 =	simm.s32 $0x0;
	s1 =	ssub.s32 $0x1000, s2  }
0x7: {  	s8 =	simm.s32 $0x8000;
	s13 =	simm.s32 $0x0;
	s3 =	sand.u32 $0xF80, s1  }
0x8: {  	s9 =	simm.s32 $0x0;
	s5 =	sshrl.u32 s1, $0xC;
	p0 =	sne.s32 s3, $0x0  }
.Ltmp0:
0x9: {  	s1 =	rddreg [dreg:$0x2];
	s4 =	simm.s32 @!p0 $0x0;
	(pc) =	sbr.rel .LBB1_1-.Ltmp0, $4  }
0xa: {  	s11 =	simm.s32 $0x0;
	s3 =	rddreg [dreg:$0x1];
	s5 =	sadd.s32 s4, s5  }
0xb: {  	_ =	strace $0x8000004A;
	s4 =	simm.s32 $0x1;
	s5 =	smul.u32 $0xC8, s5  }
0xc: {  	s6 =	sadd.s32 $0xDCE00, s6;
	s10 =	smov.u32 s2;
	[sflag:s4] =	ssyncpa.u1 $0x0  }
0xd: {  	p0 =	por $0x0, $0x0;
	[sflag:s7] =	ssyncpa.u1 $0x0;
	s7 =	sor.u32 $0x1, s5  }
.LBB1_4:
0xe: {  	s16 =	sshll.u32 s13, $0x3;
	s17 =	sand.u32 $0x78, s13  }
0xf: {  	s30 =	sand.u32 $0x7E00, s13;
	s12 =	sshll.u32 s12, $0xF;
	s16 =	sand.u32 $0xC00, s16  }
0x10: {  	[tilespmem:s15+$0x810 ss:$0x81] =	vst.msk $0xffff, v2;
	s31 =	sand.u32 $0x7, s13;
	s16 =	sor.u32 s17, s16;
	s17 =	sadd.s32 s3, s30  }
0x11: {  	[tilespmem:s15+$0x1020 ss:$0x81] =	vst.msk $0xffff, v0;
	s13 =	sshll.u32 s31, $0x12;
	s12 =	sadd.s32 s12, s17;
	s16 =	sshrl.u32 s16, $0x3  }
0x12: {  	[tilespmem:s15+$0x0 ss:$0x81] =	vst.msk $0xffff, v1;
	s13 =	sor.u32 $0x400, s13;
	s12 =	sadd.s32 s16, s12  }
0x13: {  	[hbm4b:s12+s13] =	stream.strided.scatter [tilespmem:s14], [sflag:$0x2], $0x2000, s8, s13, $0x20;
	[tilespmem:$0x8080] =	vst v63  }
.LBB1_5:
0x14: {  	s14 =	sadd.s32 $0x1, s9  }
0x15: {  	s12 =	sadd.s32 $0x1000, s10;
	s16 =	smov.u32 s10;
	p2 =	sgt.s32 s14, $0xC7  }
0x16: {  	s16 =	smov.u32 @p2 s12  }
0x17: {  	s14 =	simm.s32 @p2 $0x0;
	p2 =	sgt.s32 s16, $0xFFF  }
0x18: {  	s16 =	smov.u32 @p2 s2;
	p2 =	sne.s32 s11, s7  }
.Ltmp1:
0x19: {  	p1 =	slt.u32 s11, $0x2;
	(pc) =	sbr.rel @!p2 .LBB1_6-.Ltmp1, $4  }
0x1a: {  	s15 =	simm.s32 @!p1 $0x2  }
0x1b: {  	s13 =	smov.u32 s10;
	p0 =	por !p0, !p0;
	_ =	swait.ge @!p1 [sflag:s15], $0x2000  }
0x1c: {  	s12 =	smov.u32 s9;
	[sflag:s15] =	ssyncset.done @!p1 $0x0;
	s9 =	smov.u32 s14  }
0x1d: {  	s11 =	sadd.s32 $0x1, s11;
	[sflag:s15] =	ssyncadd.s32 @!p1 $0xFFFFE000;
	s10 =	smov.u32 s16  }
.LBB1_1:
0x1e: {  	p1 =	sge.u32 s11, s5  }
0x1f: {  	s14 =	sand.u32 @!p1 $0x1FFFFFF, s9  }
0x20: {  	s15 =	smulhi.u32 @!p1 $0x147AE15, s14;
	_ =	sdelay $0x1  }
0x21: {  	s15 =	smul.u32 @!p1 $0xC8, s15  }
0x22: {  	s16 =	sxor.u32 @!p1 $0xFFFFFFFF, s11;
	s17 =	smul.u32 @!p1 $0xC80, s10  }
0x23: {  	s31 =	sadd.s32 $0xFFFFFFFF, s11;
	s16 =	sshll.u32 @!p1 s16, $0xD;
	s14 =	ssub.s32 @!p1 s14, s15  }
0x24: {  	s15 =	sand.u32 @!p1 $0x2000, s16;
	s16 =	sadd.s32 @!p1 s6, s17;
	s14 =	sshll.u32 @!p1 s14, $0x4  }
0x25: {  	s17 =	simm.s32 @!p1 $0x6400;
	s14 =	sadd.s32 @!p1 s14, s16;
	s16 =	simm.s32 @!p1 $0x40  }
0x26: {  	[tilespmem:s15], [sflag:$0x1] =	stream.strided.gather @!p1 [hbm4b:s14+s16], $0x2000, s17, s16, $0x38;
	[tilespmem:$0x8080] =	vst v63  }
0x27: {  	p1 =	sge.u32 s31, s5  }
.Ltmp2:
0x28: {  	_ = 	snop;
	(pc) =	sbr.rel @p1 .LBB1_5-.Ltmp2, $1  }
0x29: {  	_ =	sdelay $0x3  }
0x2a: {  	s14 =	simm.s32 $0x1  }
0x2b: {  	_ =	swait.ge [sflag:s4], $0x2000;
	s14 =	simm.s32 @!p0 $0x0  }
0x2c: {  	[sflag:s4] =	ssyncset.done $0x0;
	s15 =	sshll.u32 s14, $0xD  }
0x2d: {  	[sflag:s4] =	ssyncadd.s32 $0xFFFFE000;
	s18 =	sor.u32 $0x20, s15  }
0x2e: {  	s14 =	smul.u32 $0x8100, s14;
	v3 =	vld [tilespmem:s18+$0x10]  }
0x2f: {  	s30 =	sand.u32 $0x1, s11;
	v2 =	vld [tilespmem:s18+$0xFFFFFFF0]  }
0x30: {  	s15 =	smul.u32 $0x8100, s30;
	s14 =	sshrl.u32 s14, $0x2;
	v0 =	vld [tilespmem:s18+$0x0]  }
0x31: {  	v1 =	vld [tilespmem:s18+$0xFFFFFFE0];
	s16 =	sor.u32 $0x4000, s14  }
0x32: {  	s31 =	sshrl.u32 s15, $0x2;
	s15 =	sadd.s32 $0x0, s16  }
0x33: {  	s17 =	simm.s32 $0x4;
	s18 =	sadd.s32 $0x40, s18;
	s14 =	sor.u32 $0x4000, s31;
	[tilespmem:s15+$0x1830 ss:$0x81] =	vst.msk $0xffff, v3  }
.LBB1_3:
0x34: {  	v3 =	vld [tilespmem:s18+$0x10];
	p1 =	sne.s32 s17, $0x1FC;
	[tilespmem:s15+$0x810 ss:$0x81] =	vst.msk $0xffff, v2;
	s19 =	smov.u32 s17;
	s17 =	sadd.s32 $0x4, s17  }
.Ltmp3:
0x35: {  	v2 =	vld [tilespmem:s18+$0xFFFFFFF0];
	[tilespmem:s15+$0x1020 ss:$0x81] =	vst.msk $0xffff, v0;
	(pc) =	sbr.rel @p1 .LBB1_3-.Ltmp3, $4  }
0x36: {  	v0 =	vld [tilespmem:s18+$0x0];
	[tilespmem:s15+$0x0 ss:$0x81] =	vst.msk $0xffff, v1  }
0x37: {  	s15 =	sshra.s32 s19, $0x2;
	v1 =	vld [tilespmem:s18+$0xFFFFFFE0]  }
0x38: {  	s15 =	sadd.s32 s15, s16  }
0x39: {  	s18 =	sadd.s32 $0x40, s18;
	[tilespmem:s15+$0x1830 ss:$0x81] =	vst.msk $0xffff, v3  }
.Ltmp4:
0x3a: {  	_ = 	snop;
	(pc) =	sbr.rel .LBB1_4-.Ltmp4, $1  }
0x3b: {  	_ =	sdelay $0x3  }
.LBB1_6:
0x3c: {  	_ =	sfence.sel $0x180000  }
0x3d: {  	s2 =	simm.s32 $0x1;
	[bflag:$0x0] =	sbarrier.arrive $0xFFFF  }
0x3e: {  	s31 =	simm.s32 $0x2;
	[sflag:s2] =	ssyncpa.u1 $0x1  }
0x3f: {  	[sflag:s31] =	ssyncpa.u1 $0x1  }
0x40: {  	p0 =	sne.s32 s0, $0x0;
	_ =	strace $0x9000004A  }
0x41: {  	s0 =	sadd.s32 @!p0 $0x100000, s1;
	[bflag:$0x2] =	sbarrier.arrive $0xFFFF  }
0x42: {  	[sflag:s0] =	ssyncadd.tile.s32 @!p0 $0x1;
	_ =	shalt  }
.Lfunc_end1:
_tile_overlayer_lowered:
.L_overlay_start_2:
0x43: {  	(tag) =	ssettag $0x2  }
0x44: {  	s0 =	rddreg [dreg:$0x0];
	s2 =	stileid.u32  }
0x45: {  	s1 =	rddreg [dreg:$0x1];
	p0 =	sne.s32 s2, $0x0  }
0x46: {  	s3 =	rddreg [dreg:$0x2];
	[bflag:$0x3] =	sbarrier.arrive $0xFFFF;
	s2 =	simm.s32 @!p0 $0x1C01  }
0x47: {  	[timem:s3], [sflag:s2] =	dma.local @!p0 [hbm:s0], s1  }
0x48: {  	s0 =	simm.s32 @!p0 $0x1  }
0x49: {  	_ =	swait.ge @!p0 [sflag:s0], s1  }
0x4a: {  	s1 =	ssub.s32 @!p0 $0x0, s1;
	[sflag:s0] =	ssyncset.done @!p0 $0x0  }
0x4b: {  	[sflag:s0] =	ssyncadd.s32 @!p0 s1  }
0x4c: {  	[bflag:$0x3] =	sbarrier.arrive $0xFFFF  }
0x4d: {  	_ =	shalt  }

</sc_bundles>
